<compile_context>
chip_gen: v7x
topology: tpu7x:2x2x1
jax: 0.10.2.dev20260603
libtpu: 0.0.44.dev20260713+nightly
codegen_flags: <defaults>
</compile_context>

<pallas_src>
import functools

import jax
import jax.numpy as jnp
from jax import lax
from jax.experimental import pallas as pl
from jax.experimental.pallas import tpu as pltpu
from jax.experimental.pallas import tpu_sc as plsc

_L = 16
_G = 128
_XB = 32


def _build(B, H, V, D, NW):
    n_groups = (B // _G) * H
    gpw = n_groups // NW
    n_pairs = gpw // 2
    DT, DS = D // 8, 8

    mesh = plsc.VectorSubcoreMesh(core_axis_name="c", subcore_axis_name="s")

    @functools.partial(
        pl.kernel,
        mesh=mesh,
        compiler_params=pltpu.CompilerParams(
            use_tc_tiling_on_sc=False, needs_layout_passes=False
        ),
        out_type=jax.ShapeDtypeStruct((H, DT, B // _G, DS, _G), jnp.float32),
        scratch_types=[
            pltpu.VMEM((_XB, _G), jnp.int32),
            pltpu.VMEM((2, _G), jnp.int32),
            pltpu.VMEM((2, _G, D), jnp.float32),
            pltpu.VMEM((2, DT, DS, _G + 1), jnp.float32),
            pltpu.SemaphoreType.DMA,
            pltpu.SemaphoreType.DMA,
            pltpu.SemaphoreType.DMA,
            pltpu.SemaphoreType.DMA,
        ],
    )
    def k(xg_hbm, table_hbm, out_hbm, xbuf, idxbuf, rowbuf, tbuf, g0, g1, w0, w1):
        nc = lax.axis_size("c")
        wid = lax.axis_index("s") * nc + lax.axis_index("c")
        gbase = wid * gpw
        gsem = (g0, g1)
        wsem = (w0, w1)
        lane = jax.lax.iota(jnp.int32, _L)
        dsv = lax.rem(lane, 8)
        dtv = [dv * 2 + lax.div(lane, 8) for dv in range(D // _L)]

        def make_idx(slot, r):
            vs = [xbuf[r, pl.ds(v * _L, _L)] for v in range(_G // _L)]
            for v in range(_G // _L):
                idxbuf[slot, pl.ds(v * _L, _L)] = -vs[v] - 1

        def fire_gather(slot):
            pltpu.async_copy(
                table_hbm.at[idxbuf.at[slot]], rowbuf.at[slot], gsem[slot]
            )

        def wait_gather(slot):
            pltpu.make_async_copy(
                table_hbm.at[idxbuf.at[slot]], rowbuf.at[slot], gsem[slot]
            ).wait()

        vone = jnp.full((_L,), 1, dtype=jnp.int32)

        def transpose(slot):
            def tb(bo, blv):
                b0 = 2 * bo
                blv1 = blv + vone
                vecs = [
                    rowbuf[slot, b0 + i, pl.ds(dv * _L, _L)]
                    for i in (0, 1)
                    for dv in range(D // _L)
                ]
                for i, bl in ((0, blv), (1, blv1)):
                    for dv in range(D // _L):
                        plsc.store_scatter(
                            tbuf.at[slot],
                            [dtv[dv], dsv, bl],
                            vecs[i * (D // _L) + dv],
                        )
                return blv1 + vone

            lax.fori_loop(
                0, _G // 2, tb, jnp.zeros((_L,), jnp.int32), unroll=2
            )

        def write_desc(slot, g):
            h = lax.div(g, B // _G)
            bt = lax.rem(g, B // _G)
            return pltpu.make_async_copy(
                tbuf.at[slot, :, :, pl.ds(0, _G)], out_hbm.at[h, :, bt],
                wsem[slot],
            )

        def body(p, carry):
            li0 = 2 * p
            gg0 = gbase + li0

            @pl.when(lax.rem(li0, _XB) == 0)
            def _load_x():
                ht = lax.div(gg0, (B // _G) * 8)
                hi = lax.rem(lax.div(gg0, B // _G), 8)
                bt0 = lax.rem(gg0, B // _G)
                pltpu.sync_copy(
                    xg_hbm.at[ht, pl.ds(bt0, _XB), hi], xbuf
                )

            r0 = lax.rem(li0, _XB)
            make_idx(0, r0)
            fire_gather(0)

            @pl.when(p >= 1)
            def _finish_prev_slot1():
                wait_gather(1)

                @pl.when(p >= 2)
                def _w1():
                    write_desc(1, gg0 - 3).wait()

                transpose(1)
                write_desc(1, gg0 - 1).start()

            make_idx(1, r0 + 1)
            fire_gather(1)

            wait_gather(0)

            @pl.when(p >= 1)
            def _w0():
                write_desc(0, gg0 - 2).wait()

            transpose(0)
            write_desc(0, gg0).start()
            return carry

        lax.fori_loop(0, n_pairs, body, 0)
        glast = gbase + gpw - 1
        wait_gather(1)
        write_desc(1, glast - 2).wait()
        transpose(1)
        write_desc(1, glast).start()
        write_desc(0, glast - 1).wait()
        write_desc(1, glast).wait()

    return k


def kernel(x, table):
    B, H = x.shape
    V, D = table.shape
    info = plsc.get_sparse_core_info()
    NW = info.num_cores * info.num_subcores
    xg = (
        x.astype(jnp.int32)
        .T.reshape(H // 8, 8, B // _G, _G)
        .transpose(0, 2, 1, 3)
    )
    out5 = _build(B, H, V, D, NW)(xg, table)
    return jnp.transpose(out5, (2, 4, 0, 1, 3)).reshape(B, H, D)

# --- scband reference (transcript-rebuilt; emitter-appended) ---
"""Pipeline reference for scband-qamnistoperator-embeddings-3642132267087 (READ-ONLY COPY).

The authoritative reference and input builder live on the scoring server;
editing this copy changes nothing except your own understanding.
"""

import jax, jax.numpy as jnp
import numpy as np

NUM_OPERATOR_TYPES = 1000000
D_PROJECTION = 64
BATCH = 16384
HIST = 200

def setup_inputs(seed: int = 0) -> dict:
    key = jax.random.key(seed)
    k1, k2 = jax.random.split(key)
    # Module computes embedding(-x - 1), so valid x values lie in [-NUM_OPERATOR_TYPES, -1].
    # Generate positive randint per spec (fill=randint, fill_max=vocab), then map to the
    # negative encoding the module expects: x = -(raw + 1) so that -x-1 = raw in [0, vocab).
    raw = jax.random.randint(k1, (BATCH, HIST), 0, NUM_OPERATOR_TYPES)
    x = -raw - 1
    table = jax.random.normal(k2, (NUM_OPERATOR_TYPES, D_PROJECTION), dtype=jnp.float32)
    return {"x": x, "table": table}

def reference(x, table):
    # Faithful translation of: self.embedding(-x - 1)
    idx = -x - 1
    return jnp.take(table, idx, axis=0)

if __name__ == "__main__":
    import jax
    _d = setup_inputs()
    print(jax.jit(kernel)(*tuple(_d.values())))

</pallas_src>

<mosaic_0001>
#map = affine_map<(d0, d1) -> (0, 0, 0, 0)>
#map1 = affine_map<(d0, d1) -> (0, 0)>
#map2 = affine_map<(d0, d1) -> (0, 0, 0, 0, 0)>
module attributes {stable_mosaic.version = 14 : i64} {
  func.func @k(%arg0: i32, %arg1: i32, %arg2: memref<25x128x8x128xi32, #tpu.memory_space<hbm>>, %arg3: memref<1000000x64xf32, #tpu.memory_space<hbm>>, %arg4: memref<200x8x128x8x128xf32, #tpu.memory_space<hbm>>, %arg5: memref<32x128xi32, #tpu.memory_space<vmem>>, %arg6: memref<2x128xi32, #tpu.memory_space<vmem>>, %arg7: memref<2x128x64xf32, #tpu.memory_space<vmem>>, %arg8: memref<2x8x8x129xf32, #tpu.memory_space<vmem>>, %arg9: memref<!tpu.dma_semaphore, #tpu.memory_space<semaphore_mem>>, %arg10: memref<!tpu.dma_semaphore, #tpu.memory_space<semaphore_mem>>, %arg11: memref<!tpu.dma_semaphore, #tpu.memory_space<semaphore_mem>>, %arg12: memref<!tpu.dma_semaphore, #tpu.memory_space<semaphore_mem>>) attributes {dimension_semantics = [#tpu.dimension_semantics<core_parallel>, #tpu.dimension_semantics<subcore_parallel>], iteration_bounds = array<i64: 2, 16>, scalar_prefetch = 0 : i64, scratch_operands = 8 : i64, tpu.core_type = #tpu.core_type<sc_vector_subcore>, window_params = [{transform_indices = #map}, {transform_indices = #map1}, {transform_indices = #map2}]} {
    %mul3A = arith.constant 2 : i32
    %mul3A_0 = arith.muli %arg1, %mul3A : i32
    %add3A = arith.addi %mul3A_0, %arg0 : i32
    %mul3A_1 = arith.constant 800 : i32
    %mul3A_2 = arith.muli %add3A, %mul3A_1 : i32
    %iota3A = tpu.iota {dimensions = array<i32: 0>} : vector<16xi32>
    %rem3A = arith.constant 8 : i32
    %rem3A_3 = vector.broadcast %rem3A : i32 to vector<16xi32>
    %rem3A_4 = arith.remsi %iota3A, %rem3A_3 : vector<16xi32>
    %div3A = arith.constant 8 : i32
    %div3A_5 = vector.broadcast %div3A : i32 to vector<16xi32>
    %div3A_6 = arith.divsi %iota3A, %div3A_5 : vector<16xi32>
    %add3A_7 = arith.constant 0 : i32
    %add3A_8 = vector.broadcast %add3A_7 : i32 to vector<16xi32>
    %add3A_9 = arith.addi %add3A_8, %div3A_6 : vector<16xi32>
    %div3A_10 = arith.constant 8 : i32
    %div3A_11 = vector.broadcast %div3A_10 : i32 to vector<16xi32>
    %div3A_12 = arith.divsi %iota3A, %div3A_11 : vector<16xi32>
    %add3A_13 = arith.constant 2 : i32
    %add3A_14 = vector.broadcast %add3A_13 : i32 to vector<16xi32>
    %add3A_15 = arith.addi %add3A_14, %div3A_12 : vector<16xi32>
    %div3A_16 = arith.constant 8 : i32
    %div3A_17 = vector.broadcast %div3A_16 : i32 to vector<16xi32>
    %div3A_18 = arith.divsi %iota3A, %div3A_17 : vector<16xi32>
    %add3A_19 = arith.constant 4 : i32
    %add3A_20 = vector.broadcast %add3A_19 : i32 to vector<16xi32>
    %add3A_21 = arith.addi %add3A_20, %div3A_18 : vector<16xi32>
    %div3A_22 = arith.constant 8 : i32
    %div3A_23 = vector.broadcast %div3A_22 : i32 to vector<16xi32>
    %div3A_24 = arith.divsi %iota3A, %div3A_23 : vector<16xi32>
    %add3A_25 = arith.constant 6 : i32
    %add3A_26 = vector.broadcast %add3A_25 : i32 to vector<16xi32>
    %add3A_27 = arith.addi %add3A_26, %div3A_24 : vector<16xi32>
    %broadcast_in_dim3A = arith.constant 1 : i32
    %broadcast_in_dim3A_28 = vector.broadcast %broadcast_in_dim3A : i32 to vector<16xi32>
    %scan3A = arith.constant 0 : i32
    %scan3A_29 = arith.constant 0 : i32
    %scan3A_30 = arith.constant 400 : i32
    %scan3A_31 = arith.addi %scan3A_29, %scan3A_30 : i32
    %scan3A_32 = arith.constant 1 : i32
    scf.for %scan3A_159 = %scan3A_29 to %scan3A_31 step %scan3A_32  : i32 {
      %mul3A_160 = arith.constant 2 : i32
      %mul3A_161 = arith.muli %mul3A_160, %scan3A_159 : i32
      %add3A_162 = arith.addi %mul3A_2, %mul3A_161 : i32
      %rem3A_163 = arith.constant 32 : i32
      %rem3A_164 = arith.remsi %mul3A_161, %rem3A_163 : i32
      %eq3A = arith.constant 0 : i32
      %eq3A_165 = arith.cmpi eq, %rem3A_164, %eq3A : i32
      %convert_element_type3A = arith.extui %eq3A_165 : i1 to i32
      %cond3A = arith.constant 0 : i32
      %cond3A_166 = arith.cmpi ne, %convert_element_type3A, %cond3A : i32
      scf.if %cond3A_166 {
        %div3A_454 = arith.constant 1024 : i32
        %div3A_455 = arith.divsi %add3A_162, %div3A_454 : i32
        %div3A_456 = arith.constant 128 : i32
        %div3A_457 = arith.divsi %add3A_162, %div3A_456 : i32
        %rem3A_458 = arith.constant 8 : i32
        %rem3A_459 = arith.remsi %div3A_457, %rem3A_458 : i32
        %rem3A_460 = arith.constant 128 : i32
        %rem3A_461 = arith.remsi %add3A_162, %rem3A_460 : i32
        "tpu.region"() ({
          %run_scoped3A = tpu.sem_alloc : memref<!tpu.dma_semaphore, #tpu.memory_space<semaphore_mem>>
          %dma_start3A_462 = arith.constant 0 : i32
          %dma_start3A_463 = tpu.memref_slice %arg2[%div3A_455, %rem3A_461, %rem3A_459, %dma_start3A_462] : memref<25x128x8x128xi32, #tpu.memory_space<hbm>> -> memref<1x32x1x128xi32, #tpu.memory_space<hbm>>
          %dma_start3A_464 = tpu.memref_squeeze %dma_start3A_463 : memref<1x32x1x128xi32, #tpu.memory_space<hbm>> -> memref<32x128xi32, #tpu.memory_space<hbm>>
          %dma_start3A_465 = arith.constant 0 : i32
          %dma_start3A_466 = tpu.memref_slice %arg2[%div3A_455, %rem3A_461, %rem3A_459, %dma_start3A_465] : memref<25x128x8x128xi32, #tpu.memory_space<hbm>> -> memref<1x32x1x128xi32, #tpu.memory_space<hbm>>
          %dma_start3A_467 = tpu.memref_squeeze %dma_start3A_466 : memref<1x32x1x128xi32, #tpu.memory_space<hbm>> -> memref<32x128xi32, #tpu.memory_space<hbm>>
          tpu.enqueue_dma source(%dma_start3A_467 : memref<32x128xi32, #tpu.memory_space<hbm>>) target(%arg5 : memref<32x128xi32, #tpu.memory_space<vmem>>) target_semaphore(%run_scoped3A : memref<!tpu.dma_semaphore, #tpu.memory_space<semaphore_mem>>)
          %dma_wait3A_468 = arith.constant 0 : i32
          %dma_wait3A_469 = tpu.memref_slice %arg2[%div3A_455, %rem3A_461, %rem3A_459, %dma_wait3A_468] : memref<25x128x8x128xi32, #tpu.memory_space<hbm>> -> memref<1x32x1x128xi32, #tpu.memory_space<hbm>>
          %dma_wait3A_470 = tpu.memref_squeeze %dma_wait3A_469 : memref<1x32x1x128xi32, #tpu.memory_space<hbm>> -> memref<32x128xi32, #tpu.memory_space<hbm>>
          %dma_wait3A_471 = arith.constant 0 : i32
          %dma_wait3A_472 = tpu.memref_slice %arg2[%div3A_455, %rem3A_461, %rem3A_459, %dma_wait3A_471] : memref<25x128x8x128xi32, #tpu.memory_space<hbm>> -> memref<1x32x1x128xi32, #tpu.memory_space<hbm>>
          %dma_wait3A_473 = tpu.memref_squeeze %dma_wait3A_472 : memref<1x32x1x128xi32, #tpu.memory_space<hbm>> -> memref<32x128xi32, #tpu.memory_space<hbm>>
          tpu.wait_dma2 semaphore(%run_scoped3A : memref<!tpu.dma_semaphore, #tpu.memory_space<semaphore_mem>>) src(%dma_wait3A_473 : memref<32x128xi32, #tpu.memory_space<hbm>>) dst(%arg5 : memref<32x128xi32, #tpu.memory_space<vmem>>)
          tpu.yield
        }) : () -> ()
      } else {
      }
      %rem3A_167 = arith.constant 32 : i32
      %rem3A_168 = arith.remsi %mul3A_161, %rem3A_167 : i32
      %get3A = arith.index_cast %rem3A_168 : i32 to index
      %get3A_169 = arith.constant 0 : index
      %get3A_170 = tpu.vector_load %arg5[%get3A, %get3A_169] {strides = array<i32>} : memref<32x128xi32, #tpu.memory_space<vmem>>, vector<16xi32>,
      %get3A_171 = arith.index_cast %rem3A_168 : i32 to index
      %get3A_172 = arith.constant 16 : index
      %get3A_173 = tpu.vector_load %arg5[%get3A_171, %get3A_172] {strides = array<i32>} : memref<32x128xi32, #tpu.memory_space<vmem>>, vector<16xi32>,
      %get3A_174 = arith.index_cast %rem3A_168 : i32 to index
      %get3A_175 = arith.constant 32 : index
      %get3A_176 = tpu.vector_load %arg5[%get3A_174, %get3A_175] {strides = array<i32>} : memref<32x128xi32, #tpu.memory_space<vmem>>, vector<16xi32>,
      %get3A_177 = arith.index_cast %rem3A_168 : i32 to index
      %get3A_178 = arith.constant 48 : index
      %get3A_179 = tpu.vector_load %arg5[%get3A_177, %get3A_178] {strides = array<i32>} : memref<32x128xi32, #tpu.memory_space<vmem>>, vector<16xi32>,
      %get3A_180 = arith.index_cast %rem3A_168 : i32 to index
      %get3A_181 = arith.constant 64 : index
      %get3A_182 = tpu.vector_load %arg5[%get3A_180, %get3A_181] {strides = array<i32>} : memref<32x128xi32, #tpu.memory_space<vmem>>, vector<16xi32>,
      %get3A_183 = arith.index_cast %rem3A_168 : i32 to index
      %get3A_184 = arith.constant 80 : index
      %get3A_185 = tpu.vector_load %arg5[%get3A_183, %get3A_184] {strides = array<i32>} : memref<32x128xi32, #tpu.memory_space<vmem>>, vector<16xi32>,
      %get3A_186 = arith.index_cast %rem3A_168 : i32 to index
      %get3A_187 = arith.constant 96 : index
      %get3A_188 = tpu.vector_load %arg5[%get3A_186, %get3A_187] {strides = array<i32>} : memref<32x128xi32, #tpu.memory_space<vmem>>, vector<16xi32>,
      %get3A_189 = arith.index_cast %rem3A_168 : i32 to index
      %get3A_190 = arith.constant 112 : index
      %get3A_191 = tpu.vector_load %arg5[%get3A_189, %get3A_190] {strides = array<i32>} : memref<32x128xi32, #tpu.memory_space<vmem>>, vector<16xi32>,
      %neg3A = arith.constant 0 : i32
      %neg3A_192 = vector.broadcast %neg3A : i32 to vector<16xi32>
      %neg3A_193 = arith.subi %neg3A_192, %get3A_170 : vector<16xi32>
      %sub3A_194 = arith.constant 1 : i32
      %sub3A_195 = vector.broadcast %sub3A_194 : i32 to vector<16xi32>
      %sub3A_196 = arith.subi %neg3A_193, %sub3A_195 : vector<16xi32>
      %swap3A = arith.constant 0 : i32
      %swap3A_197 = arith.index_cast %swap3A : i32 to index
      %swap3A_198 = arith.constant 0 : index
      %swap3A_199 = tpu.vector_load %arg6[%swap3A_197, %swap3A_198] {strides = array<i32>} : memref<2x128xi32, #tpu.memory_space<vmem>>, vector<16xi32>,
      tpu.vector_store %arg6[%swap3A_197, %swap3A_198], %sub3A_196 {strides = array<i32>} : memref<2x128xi32, #tpu.memory_space<vmem>>, vector<16xi32>,
      %neg3A_200 = arith.constant 0 : i32
      %neg3A_201 = vector.broadcast %neg3A_200 : i32 to vector<16xi32>
      %neg3A_202 = arith.subi %neg3A_201, %get3A_173 : vector<16xi32>
      %sub3A_203 = arith.constant 1 : i32
      %sub3A_204 = vector.broadcast %sub3A_203 : i32 to vector<16xi32>
      %sub3A_205 = arith.subi %neg3A_202, %sub3A_204 : vector<16xi32>
      %swap3A_206 = arith.constant 0 : i32
      %swap3A_207 = arith.index_cast %swap3A_206 : i32 to index
      %swap3A_208 = arith.constant 16 : index
      %swap3A_209 = tpu.vector_load %arg6[%swap3A_207, %swap3A_208] {strides = array<i32>} : memref<2x128xi32, #tpu.memory_space<vmem>>, vector<16xi32>,
      tpu.vector_store %arg6[%swap3A_207, %swap3A_208], %sub3A_205 {strides = array<i32>} : memref<2x128xi32, #tpu.memory_space<vmem>>, vector<16xi32>,
      %neg3A_210 = arith.constant 0 : i32
      %neg3A_211 = vector.broadcast %neg3A_210 : i32 to vector<16xi32>
      %neg3A_212 = arith.subi %neg3A_211, %get3A_176 : vector<16xi32>
      %sub3A_213 = arith.constant 1 : i32
      %sub3A_214 = vector.broadcast %sub3A_213 : i32 to vector<16xi32>
      %sub3A_215 = arith.subi %neg3A_212, %sub3A_214 : vector<16xi32>
      %swap3A_216 = arith.constant 0 : i32
      %swap3A_217 = arith.index_cast %swap3A_216 : i32 to index
      %swap3A_218 = arith.constant 32 : index
      %swap3A_219 = tpu.vector_load %arg6[%swap3A_217, %swap3A_218] {strides = array<i32>} : memref<2x128xi32, #tpu.memory_space<vmem>>, vector<16xi32>,
      tpu.vector_store %arg6[%swap3A_217, %swap3A_218], %sub3A_215 {strides = array<i32>} : memref<2x128xi32, #tpu.memory_space<vmem>>, vector<16xi32>,
      %neg3A_220 = arith.constant 0 : i32
      %neg3A_221 = vector.broadcast %neg3A_220 : i32 to vector<16xi32>
      %neg3A_222 = arith.subi %neg3A_221, %get3A_179 : vector<16xi32>
      %sub3A_223 = arith.constant 1 : i32
      %sub3A_224 = vector.broadcast %sub3A_223 : i32 to vector<16xi32>
      %sub3A_225 = arith.subi %neg3A_222, %sub3A_224 : vector<16xi32>
      %swap3A_226 = arith.constant 0 : i32
      %swap3A_227 = arith.index_cast %swap3A_226 : i32 to index
      %swap3A_228 = arith.constant 48 : index
      %swap3A_229 = tpu.vector_load %arg6[%swap3A_227, %swap3A_228] {strides = array<i32>} : memref<2x128xi32, #tpu.memory_space<vmem>>, vector<16xi32>,
      tpu.vector_store %arg6[%swap3A_227, %swap3A_228], %sub3A_225 {strides = array<i32>} : memref<2x128xi32, #tpu.memory_space<vmem>>, vector<16xi32>,
      %neg3A_230 = arith.constant 0 : i32
      %neg3A_231 = vector.broadcast %neg3A_230 : i32 to vector<16xi32>
      %neg3A_232 = arith.subi %neg3A_231, %get3A_182 : vector<16xi32>
      %sub3A_233 = arith.constant 1 : i32
      %sub3A_234 = vector.broadcast %sub3A_233 : i32 to vector<16xi32>
      %sub3A_235 = arith.subi %neg3A_232, %sub3A_234 : vector<16xi32>
      %swap3A_236 = arith.constant 0 : i32
      %swap3A_237 = arith.index_cast %swap3A_236 : i32 to index
      %swap3A_238 = arith.constant 64 : index
      %swap3A_239 = tpu.vector_load %arg6[%swap3A_237, %swap3A_238] {strides = array<i32>} : memref<2x128xi32, #tpu.memory_space<vmem>>, vector<16xi32>,
      tpu.vector_store %arg6[%swap3A_237, %swap3A_238], %sub3A_235 {strides = array<i32>} : memref<2x128xi32, #tpu.memory_space<vmem>>, vector<16xi32>,
      %neg3A_240 = arith.constant 0 : i32
      %neg3A_241 = vector.broadcast %neg3A_240 : i32 to vector<16xi32>
      %neg3A_242 = arith.subi %neg3A_241, %get3A_185 : vector<16xi32>
      %sub3A_243 = arith.constant 1 : i32
      %sub3A_244 = vector.broadcast %sub3A_243 : i32 to vector<16xi32>
      %sub3A_245 = arith.subi %neg3A_242, %sub3A_244 : vector<16xi32>
      %swap3A_246 = arith.constant 0 : i32
      %swap3A_247 = arith.index_cast %swap3A_246 : i32 to index
      %swap3A_248 = arith.constant 80 : index
      %swap3A_249 = tpu.vector_load %arg6[%swap3A_247, %swap3A_248] {strides = array<i32>} : memref<2x128xi32, #tpu.memory_space<vmem>>, vector<16xi32>,
      tpu.vector_store %arg6[%swap3A_247, %swap3A_248], %sub3A_245 {strides = array<i32>} : memref<2x128xi32, #tpu.memory_space<vmem>>, vector<16xi32>,
      %neg3A_250 = arith.constant 0 : i32
      %neg3A_251 = vector.broadcast %neg3A_250 : i32 to vector<16xi32>
      %neg3A_252 = arith.subi %neg3A_251, %get3A_188 : vector<16xi32>
      %sub3A_253 = arith.constant 1 : i32
      %sub3A_254 = vector.broadcast %sub3A_253 : i32 to vector<16xi32>
      %sub3A_255 = arith.subi %neg3A_252, %sub3A_254 : vector<16xi32>
      %swap3A_256 = arith.constant 0 : i32
      %swap3A_257 = arith.index_cast %swap3A_256 : i32 to index
      %swap3A_258 = arith.constant 96 : index
      %swap3A_259 = tpu.vector_load %arg6[%swap3A_257, %swap3A_258] {strides = array<i32>} : memref<2x128xi32, #tpu.memory_space<vmem>>, vector<16xi32>,
      tpu.vector_store %arg6[%swap3A_257, %swap3A_258], %sub3A_255 {strides = array<i32>} : memref<2x128xi32, #tpu.memory_space<vmem>>, vector<16xi32>,
      %neg3A_260 = arith.constant 0 : i32
      %neg3A_261 = vector.broadcast %neg3A_260 : i32 to vector<16xi32>
      %neg3A_262 = arith.subi %neg3A_261, %get3A_191 : vector<16xi32>
      %sub3A_263 = arith.constant 1 : i32
      %sub3A_264 = vector.broadcast %sub3A_263 : i32 to vector<16xi32>
      %sub3A_265 = arith.subi %neg3A_262, %sub3A_264 : vector<16xi32>
      %swap3A_266 = arith.constant 0 : i32
      %swap3A_267 = arith.index_cast %swap3A_266 : i32 to index
      %swap3A_268 = arith.constant 112 : index
      %swap3A_269 = tpu.vector_load %arg6[%swap3A_267, %swap3A_268] {strides = array<i32>} : memref<2x128xi32, #tpu.memory_space<vmem>>, vector<16xi32>,
      tpu.vector_store %arg6[%swap3A_267, %swap3A_268], %sub3A_265 {strides = array<i32>} : memref<2x128xi32, #tpu.memory_space<vmem>>, vector<16xi32>,
      %dma_start3A_270 = arith.constant 0 : i32
      %dma_start3A_271 = arith.constant 0 : i32
      %dma_start3A_272 = arith.constant 0 : i32
      %dma_start3A_273 = arith.constant 0 : i32
      %dma_start3A_274 = tpu.memref_slice %arg7[%dma_start3A_271, %dma_start3A_272, %dma_start3A_273] : memref<2x128x64xf32, #tpu.memory_space<vmem>> -> memref<1x128x64xf32, #tpu.memory_space<vmem>>
      %dma_start3A_275 = tpu.memref_squeeze %dma_start3A_274 : memref<1x128x64xf32, #tpu.memory_space<vmem>> -> memref<128x64xf32, #tpu.memory_space<vmem>>
      %dma_start3A_276 = arith.constant 0 : i32
      %dma_start3A_277 = tpu.memref_slice %arg6[%dma_start3A_270, %dma_start3A_276] : memref<2x128xi32, #tpu.memory_space<vmem>> -> memref<1x128xi32, #tpu.memory_space<vmem>>
      %dma_start3A_278 = tpu.memref_squeeze %dma_start3A_277 : memref<1x128xi32, #tpu.memory_space<vmem>> -> memref<128xi32, #tpu.memory_space<vmem>>
      %dma_start3A_279 = arith.constant 0 : i32
      %dma_start3A_280 = arith.constant 0 : i32
      %dma_start3A_281 = tpu.memref_slice %arg3[%dma_start3A_279, %dma_start3A_280] : memref<1000000x64xf32, #tpu.memory_space<hbm>> -> memref<1000000x64xf32, #tpu.memory_space<hbm>>
      tpu.enqueue_indirect_dma source(%dma_start3A_281 : memref<1000000x64xf32, #tpu.memory_space<hbm>>) target(%dma_start3A_275 : memref<128x64xf32, #tpu.memory_space<vmem>>) offsets(%dma_start3A_278 : memref<128xi32, #tpu.memory_space<vmem>>) semaphore(%arg9 : memref<!tpu.dma_semaphore, #tpu.memory_space<semaphore_mem>>)
      %ge3A = arith.constant 1 : i32
      %ge3A_282 = arith.cmpi sge, %scan3A_159, %ge3A : i32
      %convert_element_type3A_283 = arith.extui %ge3A_282 : i1 to i32
      %cond3A_284 = arith.constant 0 : i32
      %cond3A_285 = arith.cmpi ne, %convert_element_type3A_283, %cond3A_284 : i32
      scf.if %cond3A_285 {
        %dma_wait3A_454 = arith.constant 1 : i32
        %dma_wait3A_455 = arith.constant 1 : i32
        %dma_wait3A_456 = arith.constant 0 : i32
        %dma_wait3A_457 = arith.constant 0 : i32
        %dma_wait3A_458 = tpu.memref_slice %arg7[%dma_wait3A_455, %dma_wait3A_456, %dma_wait3A_457] : memref<2x128x64xf32, #tpu.memory_space<vmem>> -> memref<1x128x64xf32, #tpu.memory_space<vmem>>
        %dma_wait3A_459 = tpu.memref_squeeze %dma_wait3A_458 : memref<1x128x64xf32, #tpu.memory_space<vmem>> -> memref<128x64xf32, #tpu.memory_space<vmem>>
        %dma_wait3A_460 = arith.constant 0 : i32
        %dma_wait3A_461 = tpu.memref_slice %arg6[%dma_wait3A_454, %dma_wait3A_460] : memref<2x128xi32, #tpu.memory_space<vmem>> -> memref<1x128xi32, #tpu.memory_space<vmem>>
        %dma_wait3A_462 = tpu.memref_squeeze %dma_wait3A_461 : memref<1x128xi32, #tpu.memory_space<vmem>> -> memref<128xi32, #tpu.memory_space<vmem>>
        %dma_wait3A_463 = arith.constant 0 : i32
        %dma_wait3A_464 = arith.constant 0 : i32
        %dma_wait3A_465 = tpu.memref_slice %arg3[%dma_wait3A_463, %dma_wait3A_464] : memref<1000000x64xf32, #tpu.memory_space<hbm>> -> memref<1000000x64xf32, #tpu.memory_space<hbm>>
        tpu.wait_indirect_dma semaphore(%arg10 : memref<!tpu.dma_semaphore, #tpu.memory_space<semaphore_mem>>) src(%dma_wait3A_465 : memref<1000000x64xf32, #tpu.memory_space<hbm>>) dst(%dma_wait3A_459 : memref<128x64xf32, #tpu.memory_space<vmem>>)
        %ge3A_466 = arith.constant 2 : i32
        %ge3A_467 = arith.cmpi sge, %scan3A_159, %ge3A_466 : i32
        %convert_element_type3A_468 = arith.extui %ge3A_467 : i1 to i32
        %cond3A_469 = arith.constant 0 : i32
        %cond3A_470 = arith.cmpi ne, %convert_element_type3A_468, %cond3A_469 : i32
        scf.if %cond3A_470 {
          %sub3A_506 = arith.constant 3 : i32
          %sub3A_507 = arith.subi %add3A_162, %sub3A_506 : i32
          %div3A_508 = arith.constant 128 : i32
          %div3A_509 = arith.divsi %sub3A_507, %div3A_508 : i32
          %rem3A_510 = arith.constant 128 : i32
          %rem3A_511 = arith.remsi %sub3A_507, %rem3A_510 : i32
          %dma_wait3A_512 = arith.constant 1 : i32
          %dma_wait3A_513 = arith.constant 0 : i32
          %dma_wait3A_514 = arith.constant 0 : i32
          %dma_wait3A_515 = arith.constant 0 : i32
          %dma_wait3A_516 = tpu.memref_slice %arg8[%dma_wait3A_512, %dma_wait3A_513, %dma_wait3A_514, %dma_wait3A_515] : memref<2x8x8x129xf32, #tpu.memory_space<vmem>> -> memref<1x8x8x128xf32, #tpu.memory_space<vmem>>
          %dma_wait3A_517 = tpu.memref_squeeze %dma_wait3A_516 : memref<1x8x8x128xf32, #tpu.memory_space<vmem>> -> memref<8x8x128xf32, #tpu.memory_space<vmem>>
          %dma_wait3A_518 = arith.constant 0 : i32
          %dma_wait3A_519 = arith.constant 0 : i32
          %dma_wait3A_520 = arith.constant 0 : i32
          %dma_wait3A_521 = tpu.memref_slice %arg4[%div3A_509, %dma_wait3A_518, %rem3A_511, %dma_wait3A_519, %dma_wait3A_520] : memref<200x8x128x8x128xf32, #tpu.memory_space<hbm>> -> memref<1x8x1x8x128xf32, #tpu.memory_space<hbm>>
          %dma_wait3A_522 = tpu.memref_squeeze %dma_wait3A_521 : memref<1x8x1x8x128xf32, #tpu.memory_space<hbm>> -> memref<8x8x128xf32, #tpu.memory_space<hbm>>
          %dma_wait3A_523 = arith.constant 0 : i32
          %dma_wait3A_524 = arith.constant 0 : i32
          %dma_wait3A_525 = arith.constant 0 : i32
          %dma_wait3A_526 = tpu.memref_slice %arg4[%div3A_509, %dma_wait3A_523, %rem3A_511, %dma_wait3A_524, %dma_wait3A_525] : memref<200x8x128x8x128xf32, #tpu.memory_space<hbm>> -> memref<1x8x1x8x128xf32, #tpu.memory_space<hbm>>
          %dma_wait3A_527 = tpu.memref_squeeze %dma_wait3A_526 : memref<1x8x1x8x128xf32, #tpu.memory_space<hbm>> -> memref<8x8x128xf32, #tpu.memory_space<hbm>>
          %dma_wait3A_528 = arith.constant 0 : i32
          %dma_wait3A_529 = arith.constant 0 : i32
          %dma_wait3A_530 = arith.constant 0 : i32
          %dma_wait3A_531 = tpu.memref_slice %arg8[%dma_wait3A_512, %dma_wait3A_528, %dma_wait3A_529, %dma_wait3A_530] : memref<2x8x8x129xf32, #tpu.memory_space<vmem>> -> memref<1x8x8x128xf32, #tpu.memory_space<vmem>>
          %dma_wait3A_532 = tpu.memref_squeeze %dma_wait3A_531 : memref<1x8x8x128xf32, #tpu.memory_space<vmem>> -> memref<8x8x128xf32, #tpu.memory_space<vmem>>
          tpu.wait_dma2 semaphore(%arg12 : memref<!tpu.dma_semaphore, #tpu.memory_space<semaphore_mem>>) src(%dma_wait3A_532 : memref<8x8x128xf32, #tpu.memory_space<vmem>>) dst(%dma_wait3A_527 : memref<8x8x128xf32, #tpu.memory_space<hbm>>)
        } else {
        }
        %broadcast_in_dim3A_471 = arith.constant 0 : i32
        %broadcast_in_dim3A_472 = vector.broadcast %broadcast_in_dim3A_471 : i32 to vector<16xi32>
        %scan3A_473 = arith.constant 0 : i32
        %scan3A_474 = arith.constant 64 : i32
        %scan3A_475 = arith.addi %scan3A_473, %scan3A_474 : i32
        %scan3A_476 = arith.constant 2 : i32
        %scan3A_477 = scf.for %scan3A_506 = %scan3A_473 to %scan3A_475 step %scan3A_476 iter_args(%scan3A_507 = %broadcast_in_dim3A_472) -> (vector<16xi32>)  : i32 {
          %mul3A_508 = arith.constant 2 : i32
          %mul3A_509 = arith.muli %mul3A_508, %scan3A_506 : i32
          %add3A_510 = arith.addi %scan3A_507, %broadcast_in_dim3A_28 : vector<16xi32>
          %add3A_511 = arith.constant 0 : i32
          %add3A_512 = arith.addi %mul3A_509, %add3A_511 : i32
          %get3A_513 = arith.constant 1 : i32
          %get3A_514 = arith.index_cast %get3A_513 : i32 to index
          %get3A_515 = arith.index_cast %add3A_512 : i32 to index
          %get3A_516 = arith.constant 0 : index
          %get3A_517 = tpu.vector_load %arg7[%get3A_514, %get3A_515, %get3A_516] {strides = array<i32>} : memref<2x128x64xf32, #tpu.memory_space<vmem>>, vector<16xf32>,
          %add3A_518 = arith.constant 0 : i32
          %add3A_519 = arith.addi %mul3A_509, %add3A_518 : i32
          %get3A_520 = arith.constant 1 : i32
          %get3A_521 = arith.index_cast %get3A_520 : i32 to index
          %get3A_522 = arith.index_cast %add3A_519 : i32 to index
          %get3A_523 = arith.constant 16 : index
          %get3A_524 = tpu.vector_load %arg7[%get3A_521, %get3A_522, %get3A_523] {strides = array<i32>} : memref<2x128x64xf32, #tpu.memory_space<vmem>>, vector<16xf32>,
          %add3A_525 = arith.constant 0 : i32
          %add3A_526 = arith.addi %mul3A_509, %add3A_525 : i32
          %get3A_527 = arith.constant 1 : i32
          %get3A_528 = arith.index_cast %get3A_527 : i32 to index
          %get3A_529 = arith.index_cast %add3A_526 : i32 to index
          %get3A_530 = arith.constant 32 : index
          %get3A_531 = tpu.vector_load %arg7[%get3A_528, %get3A_529, %get3A_530] {strides = array<i32>} : memref<2x128x64xf32, #tpu.memory_space<vmem>>, vector<16xf32>,
          %add3A_532 = arith.constant 0 : i32
          %add3A_533 = arith.addi %mul3A_509, %add3A_532 : i32
          %get3A_534 = arith.constant 1 : i32
          %get3A_535 = arith.index_cast %get3A_534 : i32 to index
          %get3A_536 = arith.index_cast %add3A_533 : i32 to index
          %get3A_537 = arith.constant 48 : index
          %get3A_538 = tpu.vector_load %arg7[%get3A_535, %get3A_536, %get3A_537] {strides = array<i32>} : memref<2x128x64xf32, #tpu.memory_space<vmem>>, vector<16xf32>,
          %add3A_539 = arith.constant 1 : i32
          %add3A_540 = arith.addi %mul3A_509, %add3A_539 : i32
          %get3A_541 = arith.constant 1 : i32
          %get3A_542 = arith.index_cast %get3A_541 : i32 to index
          %get3A_543 = arith.index_cast %add3A_540 : i32 to index
          %get3A_544 = arith.constant 0 : index
          %get3A_545 = tpu.vector_load %arg7[%get3A_542, %get3A_543, %get3A_544] {strides = array<i32>} : memref<2x128x64xf32, #tpu.memory_space<vmem>>, vector<16xf32>,
          %add3A_546 = arith.constant 1 : i32
          %add3A_547 = arith.addi %mul3A_509, %add3A_546 : i32
          %get3A_548 = arith.constant 1 : i32
          %get3A_549 = arith.index_cast %get3A_548 : i32 to index
          %get3A_550 = arith.index_cast %add3A_547 : i32 to index
          %get3A_551 = arith.constant 16 : index
          %get3A_552 = tpu.vector_load %arg7[%get3A_549, %get3A_550, %get3A_551] {strides = array<i32>} : memref<2x128x64xf32, #tpu.memory_space<vmem>>, vector<16xf32>,
          %add3A_553 = arith.constant 1 : i32
          %add3A_554 = arith.addi %mul3A_509, %add3A_553 : i32
          %get3A_555 = arith.constant 1 : i32
          %get3A_556 = arith.index_cast %get3A_555 : i32 to index
          %get3A_557 = arith.index_cast %add3A_554 : i32 to index
          %get3A_558 = arith.constant 32 : index
          %get3A_559 = tpu.vector_load %arg7[%get3A_556, %get3A_557, %get3A_558] {strides = array<i32>} : memref<2x128x64xf32, #tpu.memory_space<vmem>>, vector<16xf32>,
          %add3A_560 = arith.constant 1 : i32
          %add3A_561 = arith.addi %mul3A_509, %add3A_560 : i32
          %get3A_562 = arith.constant 1 : i32
          %get3A_563 = arith.index_cast %get3A_562 : i32 to index
          %get3A_564 = arith.index_cast %add3A_561 : i32 to index
          %get3A_565 = arith.constant 48 : index
          %get3A_566 = tpu.vector_load %arg7[%get3A_563, %get3A_564, %get3A_565] {strides = array<i32>} : memref<2x128x64xf32, #tpu.memory_space<vmem>>, vector<16xf32>,
          %scatter3A = arith.constant 1 : i32
          %scatter3A_567 = arith.constant 0 : i32
          %scatter3A_568 = arith.constant 0 : i32
          %scatter3A_569 = arith.constant 0 : i32
          %scatter3A_570 = tpu.memref_slice %arg8[%scatter3A, %scatter3A_567, %scatter3A_568, %scatter3A_569] : memref<2x8x8x129xf32, #tpu.memory_space<vmem>> -> memref<1x8x8x129xf32, #tpu.memory_space<vmem>>
          %scatter3A_571 = tpu.memref_squeeze %scatter3A_570 : memref<1x8x8x129xf32, #tpu.memory_space<vmem>> -> memref<8x8x129xf32, #tpu.memory_space<vmem>>
          tpu.vector_store_idx %scatter3A_571[%add3A_9, %rem3A_4, %scan3A_507], %get3A_517 : memref<8x8x129xf32, #tpu.memory_space<vmem>>[vector<16xi32>, vector<16xi32>, vector<16xi32>], vector<16xf32>,
          %scatter3A_572 = arith.constant 1 : i32
          %scatter3A_573 = arith.constant 0 : i32
          %scatter3A_574 = arith.constant 0 : i32
          %scatter3A_575 = arith.constant 0 : i32
          %scatter3A_576 = tpu.memref_slice %arg8[%scatter3A_572, %scatter3A_573, %scatter3A_574, %scatter3A_575] : memref<2x8x8x129xf32, #tpu.memory_space<vmem>> -> memref<1x8x8x129xf32, #tpu.memory_space<vmem>>
          %scatter3A_577 = tpu.memref_squeeze %scatter3A_576 : memref<1x8x8x129xf32, #tpu.memory_space<vmem>> -> memref<8x8x129xf32, #tpu.memory_space<vmem>>
          tpu.vector_store_idx %scatter3A_577[%add3A_15, %rem3A_4, %scan3A_507], %get3A_524 : memref<8x8x129xf32, #tpu.memory_space<vmem>>[vector<16xi32>, vector<16xi32>, vector<16xi32>], vector<16xf32>,
          %scatter3A_578 = arith.constant 1 : i32
          %scatter3A_579 = arith.constant 0 : i32
          %scatter3A_580 = arith.constant 0 : i32
          %scatter3A_581 = arith.constant 0 : i32
          %scatter3A_582 = tpu.memref_slice %arg8[%scatter3A_578, %scatter3A_579, %scatter3A_580, %scatter3A_581] : memref<2x8x8x129xf32, #tpu.memory_space<vmem>> -> memref<1x8x8x129xf32, #tpu.memory_space<vmem>>
          %scatter3A_583 = tpu.memref_squeeze %scatter3A_582 : memref<1x8x8x129xf32, #tpu.memory_space<vmem>> -> memref<8x8x129xf32, #tpu.memory_space<vmem>>
          tpu.vector_store_idx %scatter3A_583[%add3A_21, %rem3A_4, %scan3A_507], %get3A_531 : memref<8x8x129xf32, #tpu.memory_space<vmem>>[vector<16xi32>, vector<16xi32>, vector<16xi32>], vector<16xf32>,
          %scatter3A_584 = arith.constant 1 : i32
          %scatter3A_585 = arith.constant 0 : i32
          %scatter3A_586 = arith.constant 0 : i32
          %scatter3A_587 = arith.constant 0 : i32
          %scatter3A_588 = tpu.memref_slice %arg8[%scatter3A_584, %scatter3A_585, %scatter3A_586, %scatter3A_587] : memref<2x8x8x129xf32, #tpu.memory_space<vmem>> -> memref<1x8x8x129xf32, #tpu.memory_space<vmem>>
          %scatter3A_589 = tpu.memref_squeeze %scatter3A_588 : memref<1x8x8x129xf32, #tpu.memory_space<vmem>> -> memref<8x8x129xf32, #tpu.memory_space<vmem>>
          tpu.vector_store_idx %scatter3A_589[%add3A_27, %rem3A_4, %scan3A_507], %get3A_538 : memref<8x8x129xf32, #tpu.memory_space<vmem>>[vector<16xi32>, vector<16xi32>, vector<16xi32>], vector<16xf32>,
          %scatter3A_590 = arith.constant 1 : i32
          %scatter3A_591 = arith.constant 0 : i32
          %scatter3A_592 = arith.constant 0 : i32
          %scatter3A_593 = arith.constant 0 : i32
          %scatter3A_594 = tpu.memref_slice %arg8[%scatter3A_590, %scatter3A_591, %scatter3A_592, %scatter3A_593] : memref<2x8x8x129xf32, #tpu.memory_space<vmem>> -> memref<1x8x8x129xf32, #tpu.memory_space<vmem>>
          %scatter3A_595 = tpu.memref_squeeze %scatter3A_594 : memref<1x8x8x129xf32, #tpu.memory_space<vmem>> -> memref<8x8x129xf32, #tpu.memory_space<vmem>>
          tpu.vector_store_idx %scatter3A_595[%add3A_9, %rem3A_4, %add3A_510], %get3A_545 : memref<8x8x129xf32, #tpu.memory_space<vmem>>[vector<16xi32>, vector<16xi32>, vector<16xi32>], vector<16xf32>,
          %scatter3A_596 = arith.constant 1 : i32
          %scatter3A_597 = arith.constant 0 : i32
          %scatter3A_598 = arith.constant 0 : i32
          %scatter3A_599 = arith.constant 0 : i32
          %scatter3A_600 = tpu.memref_slice %arg8[%scatter3A_596, %scatter3A_597, %scatter3A_598, %scatter3A_599] : memref<2x8x8x129xf32, #tpu.memory_space<vmem>> -> memref<1x8x8x129xf32, #tpu.memory_space<vmem>>
          %scatter3A_601 = tpu.memref_squeeze %scatter3A_600 : memref<1x8x8x129xf32, #tpu.memory_space<vmem>> -> memref<8x8x129xf32, #tpu.memory_space<vmem>>
          tpu.vector_store_idx %scatter3A_601[%add3A_15, %rem3A_4, %add3A_510], %get3A_552 : memref<8x8x129xf32, #tpu.memory_space<vmem>>[vector<16xi32>, vector<16xi32>, vector<16xi32>], vector<16xf32>,
          %scatter3A_602 = arith.constant 1 : i32
          %scatter3A_603 = arith.constant 0 : i32
          %scatter3A_604 = arith.constant 0 : i32
          %scatter3A_605 = arith.constant 0 : i32
          %scatter3A_606 = tpu.memref_slice %arg8[%scatter3A_602, %scatter3A_603, %scatter3A_604, %scatter3A_605] : memref<2x8x8x129xf32, #tpu.memory_space<vmem>> -> memref<1x8x8x129xf32, #tpu.memory_space<vmem>>
          %scatter3A_607 = tpu.memref_squeeze %scatter3A_606 : memref<1x8x8x129xf32, #tpu.memory_space<vmem>> -> memref<8x8x129xf32, #tpu.memory_space<vmem>>
          tpu.vector_store_idx %scatter3A_607[%add3A_21, %rem3A_4, %add3A_510], %get3A_559 : memref<8x8x129xf32, #tpu.memory_space<vmem>>[vector<16xi32>, vector<16xi32>, vector<16xi32>], vector<16xf32>,
          %scatter3A_608 = arith.constant 1 : i32
          %scatter3A_609 = arith.constant 0 : i32
          %scatter3A_610 = arith.constant 0 : i32
          %scatter3A_611 = arith.constant 0 : i32
          %scatter3A_612 = tpu.memref_slice %arg8[%scatter3A_608, %scatter3A_609, %scatter3A_610, %scatter3A_611] : memref<2x8x8x129xf32, #tpu.memory_space<vmem>> -> memref<1x8x8x129xf32, #tpu.memory_space<vmem>>
          %scatter3A_613 = tpu.memref_squeeze %scatter3A_612 : memref<1x8x8x129xf32, #tpu.memory_space<vmem>> -> memref<8x8x129xf32, #tpu.memory_space<vmem>>
          tpu.vector_store_idx %scatter3A_613[%add3A_27, %rem3A_4, %add3A_510], %get3A_566 : memref<8x8x129xf32, #tpu.memory_space<vmem>>[vector<16xi32>, vector<16xi32>, vector<16xi32>], vector<16xf32>,
          %add3A_614 = arith.addi %add3A_510, %broadcast_in_dim3A_28 : vector<16xi32>
          %scan3A_615 = arith.constant 1 : i32
          %scan3A_616 = arith.addi %scan3A_506, %scan3A_615 : i32
          %mul3A_617 = arith.constant 2 : i32
          %mul3A_618 = arith.muli %mul3A_617, %scan3A_616 : i32
          %add3A_619 = arith.addi %add3A_614, %broadcast_in_dim3A_28 : vector<16xi32>
          %add3A_620 = arith.constant 0 : i32
          %add3A_621 = arith.addi %mul3A_618, %add3A_620 : i32
          %get3A_622 = arith.constant 1 : i32
          %get3A_623 = arith.index_cast %get3A_622 : i32 to index
          %get3A_624 = arith.index_cast %add3A_621 : i32 to index
          %get3A_625 = arith.constant 0 : index
          %get3A_626 = tpu.vector_load %arg7[%get3A_623, %get3A_624, %get3A_625] {strides = array<i32>} : memref<2x128x64xf32, #tpu.memory_space<vmem>>, vector<16xf32>,
          %add3A_627 = arith.constant 0 : i32
          %add3A_628 = arith.addi %mul3A_618, %add3A_627 : i32
          %get3A_629 = arith.constant 1 : i32
          %get3A_630 = arith.index_cast %get3A_629 : i32 to index
          %get3A_631 = arith.index_cast %add3A_628 : i32 to index
          %get3A_632 = arith.constant 16 : index
          %get3A_633 = tpu.vector_load %arg7[%get3A_630, %get3A_631, %get3A_632] {strides = array<i32>} : memref<2x128x64xf32, #tpu.memory_space<vmem>>, vector<16xf32>,
          %add3A_634 = arith.constant 0 : i32
          %add3A_635 = arith.addi %mul3A_618, %add3A_634 : i32
          %get3A_636 = arith.constant 1 : i32
          %get3A_637 = arith.index_cast %get3A_636 : i32 to index
          %get3A_638 = arith.index_cast %add3A_635 : i32 to index
          %get3A_639 = arith.constant 32 : index
          %get3A_640 = tpu.vector_load %arg7[%get3A_637, %get3A_638, %get3A_639] {strides = array<i32>} : memref<2x128x64xf32, #tpu.memory_space<vmem>>, vector<16xf32>,
          %add3A_641 = arith.constant 0 : i32
          %add3A_642 = arith.addi %mul3A_618, %add3A_641 : i32
          %get3A_643 = arith.constant 1 : i32
          %get3A_644 = arith.index_cast %get3A_643 : i32 to index
          %get3A_645 = arith.index_cast %add3A_642 : i32 to index
          %get3A_646 = arith.constant 48 : index
          %get3A_647 = tpu.vector_load %arg7[%get3A_644, %get3A_645, %get3A_646] {strides = array<i32>} : memref<2x128x64xf32, #tpu.memory_space<vmem>>, vector<16xf32>,
          %add3A_648 = arith.constant 1 : i32
          %add3A_649 = arith.addi %mul3A_618, %add3A_648 : i32
          %get3A_650 = arith.constant 1 : i32
          %get3A_651 = arith.index_cast %get3A_650 : i32 to index
          %get3A_652 = arith.index_cast %add3A_649 : i32 to index
          %get3A_653 = arith.constant 0 : index
          %get3A_654 = tpu.vector_load %arg7[%get3A_651, %get3A_652, %get3A_653] {strides = array<i32>} : memref<2x128x64xf32, #tpu.memory_space<vmem>>, vector<16xf32>,
          %add3A_655 = arith.constant 1 : i32
          %add3A_656 = arith.addi %mul3A_618, %add3A_655 : i32
          %get3A_657 = arith.constant 1 : i32
          %get3A_658 = arith.index_cast %get3A_657 : i32 to index
          %get3A_659 = arith.index_cast %add3A_656 : i32 to index
          %get3A_660 = arith.constant 16 : index
          %get3A_661 = tpu.vector_load %arg7[%get3A_658, %get3A_659, %get3A_660] {strides = array<i32>} : memref<2x128x64xf32, #tpu.memory_space<vmem>>, vector<16xf32>,
          %add3A_662 = arith.constant 1 : i32
          %add3A_663 = arith.addi %mul3A_618, %add3A_662 : i32
          %get3A_664 = arith.constant 1 : i32
          %get3A_665 = arith.index_cast %get3A_664 : i32 to index
          %get3A_666 = arith.index_cast %add3A_663 : i32 to index
          %get3A_667 = arith.constant 32 : index
          %get3A_668 = tpu.vector_load %arg7[%get3A_665, %get3A_666, %get3A_667] {strides = array<i32>} : memref<2x128x64xf32, #tpu.memory_space<vmem>>, vector<16xf32>,
          %add3A_669 = arith.constant 1 : i32
          %add3A_670 = arith.addi %mul3A_618, %add3A_669 : i32
          %get3A_671 = arith.constant 1 : i32
          %get3A_672 = arith.index_cast %get3A_671 : i32 to index
          %get3A_673 = arith.index_cast %add3A_670 : i32 to index
          %get3A_674 = arith.constant 48 : index
          %get3A_675 = tpu.vector_load %arg7[%get3A_672, %get3A_673, %get3A_674] {strides = array<i32>} : memref<2x128x64xf32, #tpu.memory_space<vmem>>, vector<16xf32>,
          %scatter3A_676 = arith.constant 1 : i32
          %scatter3A_677 = arith.constant 0 : i32
          %scatter3A_678 = arith.constant 0 : i32
          %scatter3A_679 = arith.constant 0 : i32
          %scatter3A_680 = tpu.memref_slice %arg8[%scatter3A_676, %scatter3A_677, %scatter3A_678, %scatter3A_679] : memref<2x8x8x129xf32, #tpu.memory_space<vmem>> -> memref<1x8x8x129xf32, #tpu.memory_space<vmem>>
          %scatter3A_681 = tpu.memref_squeeze %scatter3A_680 : memref<1x8x8x129xf32, #tpu.memory_space<vmem>> -> memref<8x8x129xf32, #tpu.memory_space<vmem>>
          tpu.vector_store_idx %scatter3A_681[%add3A_9, %rem3A_4, %add3A_614], %get3A_626 : memref<8x8x129xf32, #tpu.memory_space<vmem>>[vector<16xi32>, vector<16xi32>, vector<16xi32>], vector<16xf32>,
          %scatter3A_682 = arith.constant 1 : i32
          %scatter3A_683 = arith.constant 0 : i32
          %scatter3A_684 = arith.constant 0 : i32
          %scatter3A_685 = arith.constant 0 : i32
          %scatter3A_686 = tpu.memref_slice %arg8[%scatter3A_682, %scatter3A_683, %scatter3A_684, %scatter3A_685] : memref<2x8x8x129xf32, #tpu.memory_space<vmem>> -> memref<1x8x8x129xf32, #tpu.memory_space<vmem>>
          %scatter3A_687 = tpu.memref_squeeze %scatter3A_686 : memref<1x8x8x129xf32, #tpu.memory_space<vmem>> -> memref<8x8x129xf32, #tpu.memory_space<vmem>>
          tpu.vector_store_idx %scatter3A_687[%add3A_15, %rem3A_4, %add3A_614], %get3A_633 : memref<8x8x129xf32, #tpu.memory_space<vmem>>[vector<16xi32>, vector<16xi32>, vector<16xi32>], vector<16xf32>,
          %scatter3A_688 = arith.constant 1 : i32
          %scatter3A_689 = arith.constant 0 : i32
          %scatter3A_690 = arith.constant 0 : i32
          %scatter3A_691 = arith.constant 0 : i32
          %scatter3A_692 = tpu.memref_slice %arg8[%scatter3A_688, %scatter3A_689, %scatter3A_690, %scatter3A_691] : memref<2x8x8x129xf32, #tpu.memory_space<vmem>> -> memref<1x8x8x129xf32, #tpu.memory_space<vmem>>
          %scatter3A_693 = tpu.memref_squeeze %scatter3A_692 : memref<1x8x8x129xf32, #tpu.memory_space<vmem>> -> memref<8x8x129xf32, #tpu.memory_space<vmem>>
          tpu.vector_store_idx %scatter3A_693[%add3A_21, %rem3A_4, %add3A_614], %get3A_640 : memref<8x8x129xf32, #tpu.memory_space<vmem>>[vector<16xi32>, vector<16xi32>, vector<16xi32>], vector<16xf32>,
          %scatter3A_694 = arith.constant 1 : i32
          %scatter3A_695 = arith.constant 0 : i32
          %scatter3A_696 = arith.constant 0 : i32
          %scatter3A_697 = arith.constant 0 : i32
          %scatter3A_698 = tpu.memref_slice %arg8[%scatter3A_694, %scatter3A_695, %scatter3A_696, %scatter3A_697] : memref<2x8x8x129xf32, #tpu.memory_space<vmem>> -> memref<1x8x8x129xf32, #tpu.memory_space<vmem>>
          %scatter3A_699 = tpu.memref_squeeze %scatter3A_698 : memref<1x8x8x129xf32, #tpu.memory_space<vmem>> -> memref<8x8x129xf32, #tpu.memory_space<vmem>>
          tpu.vector_store_idx %scatter3A_699[%add3A_27, %rem3A_4, %add3A_614], %get3A_647 : memref<8x8x129xf32, #tpu.memory_space<vmem>>[vector<16xi32>, vector<16xi32>, vector<16xi32>], vector<16xf32>,
          %scatter3A_700 = arith.constant 1 : i32
          %scatter3A_701 = arith.constant 0 : i32
          %scatter3A_702 = arith.constant 0 : i32
          %scatter3A_703 = arith.constant 0 : i32
          %scatter3A_704 = tpu.memref_slice %arg8[%scatter3A_700, %scatter3A_701, %scatter3A_702, %scatter3A_703] : memref<2x8x8x129xf32, #tpu.memory_space<vmem>> -> memref<1x8x8x129xf32, #tpu.memory_space<vmem>>
          %scatter3A_705 = tpu.memref_squeeze %scatter3A_704 : memref<1x8x8x129xf32, #tpu.memory_space<vmem>> -> memref<8x8x129xf32, #tpu.memory_space<vmem>>
          tpu.vector_store_idx %scatter3A_705[%add3A_9, %rem3A_4, %add3A_619], %get3A_654 : memref<8x8x129xf32, #tpu.memory_space<vmem>>[vector<16xi32>, vector<16xi32>, vector<16xi32>], vector<16xf32>,
          %scatter3A_706 = arith.constant 1 : i32
          %scatter3A_707 = arith.constant 0 : i32
          %scatter3A_708 = arith.constant 0 : i32
          %scatter3A_709 = arith.constant 0 : i32
          %scatter3A_710 = tpu.memref_slice %arg8[%scatter3A_706, %scatter3A_707, %scatter3A_708, %scatter3A_709] : memref<2x8x8x129xf32, #tpu.memory_space<vmem>> -> memref<1x8x8x129xf32, #tpu.memory_space<vmem>>
          %scatter3A_711 = tpu.memref_squeeze %scatter3A_710 : memref<1x8x8x129xf32, #tpu.memory_space<vmem>> -> memref<8x8x129xf32, #tpu.memory_space<vmem>>
          tpu.vector_store_idx %scatter3A_711[%add3A_15, %rem3A_4, %add3A_619], %get3A_661 : memref<8x8x129xf32, #tpu.memory_space<vmem>>[vector<16xi32>, vector<16xi32>, vector<16xi32>], vector<16xf32>,
          %scatter3A_712 = arith.constant 1 : i32
          %scatter3A_713 = arith.constant 0 : i32
          %scatter3A_714 = arith.constant 0 : i32
          %scatter3A_715 = arith.constant 0 : i32
          %scatter3A_716 = tpu.memref_slice %arg8[%scatter3A_712, %scatter3A_713, %scatter3A_714, %scatter3A_715] : memref<2x8x8x129xf32, #tpu.memory_space<vmem>> -> memref<1x8x8x129xf32, #tpu.memory_space<vmem>>
          %scatter3A_717 = tpu.memref_squeeze %scatter3A_716 : memref<1x8x8x129xf32, #tpu.memory_space<vmem>> -> memref<8x8x129xf32, #tpu.memory_space<vmem>>
          tpu.vector_store_idx %scatter3A_717[%add3A_21, %rem3A_4, %add3A_619], %get3A_668 : memref<8x8x129xf32, #tpu.memory_space<vmem>>[vector<16xi32>, vector<16xi32>, vector<16xi32>], vector<16xf32>,
          %scatter3A_718 = arith.constant 1 : i32
          %scatter3A_719 = arith.constant 0 : i32
          %scatter3A_720 = arith.constant 0 : i32
          %scatter3A_721 = arith.constant 0 : i32
          %scatter3A_722 = tpu.memref_slice %arg8[%scatter3A_718, %scatter3A_719, %scatter3A_720, %scatter3A_721] : memref<2x8x8x129xf32, #tpu.memory_space<vmem>> -> memref<1x8x8x129xf32, #tpu.memory_space<vmem>>
          %scatter3A_723 = tpu.memref_squeeze %scatter3A_722 : memref<1x8x8x129xf32, #tpu.memory_space<vmem>> -> memref<8x8x129xf32, #tpu.memory_space<vmem>>
          tpu.vector_store_idx %scatter3A_723[%add3A_27, %rem3A_4, %add3A_619], %get3A_675 : memref<8x8x129xf32, #tpu.memory_space<vmem>>[vector<16xi32>, vector<16xi32>, vector<16xi32>], vector<16xf32>,
          %add3A_724 = arith.addi %add3A_619, %broadcast_in_dim3A_28 : vector<16xi32>
          scf.yield %add3A_724 : vector<16xi32>
        }
        %scan3A_478 = arith.constant 64 : i32
        %sub3A_479 = arith.constant 1 : i32
        %sub3A_480 = arith.subi %add3A_162, %sub3A_479 : i32
        %div3A_481 = arith.constant 128 : i32
        %div3A_482 = arith.divsi %sub3A_480, %div3A_481 : i32
        %rem3A_483 = arith.constant 128 : i32
        %rem3A_484 = arith.remsi %sub3A_480, %rem3A_483 : i32
        %dma_start3A_485 = arith.constant 1 : i32
        %dma_start3A_486 = arith.constant 0 : i32
        %dma_start3A_487 = arith.constant 0 : i32
        %dma_start3A_488 = arith.constant 0 : i32
        %dma_start3A_489 = tpu.memref_slice %arg8[%dma_start3A_485, %dma_start3A_486, %dma_start3A_487, %dma_start3A_488] : memref<2x8x8x129xf32, #tpu.memory_space<vmem>> -> memref<1x8x8x128xf32, #tpu.memory_space<vmem>>
        %dma_start3A_490 = tpu.memref_squeeze %dma_start3A_489 : memref<1x8x8x128xf32, #tpu.memory_space<vmem>> -> memref<8x8x128xf32, #tpu.memory_space<vmem>>
        %dma_start3A_491 = arith.constant 0 : i32
        %dma_start3A_492 = arith.constant 0 : i32
        %dma_start3A_493 = arith.constant 0 : i32
        %dma_start3A_494 = tpu.memref_slice %arg4[%div3A_482, %dma_start3A_491, %rem3A_484, %dma_start3A_492, %dma_start3A_493] : memref<200x8x128x8x128xf32, #tpu.memory_space<hbm>> -> memref<1x8x1x8x128xf32, #tpu.memory_space<hbm>>
        %dma_start3A_495 = tpu.memref_squeeze %dma_start3A_494 : memref<1x8x1x8x128xf32, #tpu.memory_space<hbm>> -> memref<8x8x128xf32, #tpu.memory_space<hbm>>
        %dma_start3A_496 = arith.constant 0 : i32
        %dma_start3A_497 = arith.constant 0 : i32
        %dma_start3A_498 = arith.constant 0 : i32
        %dma_start3A_499 = tpu.memref_slice %arg4[%div3A_482, %dma_start3A_496, %rem3A_484, %dma_start3A_497, %dma_start3A_498] : memref<200x8x128x8x128xf32, #tpu.memory_space<hbm>> -> memref<1x8x1x8x128xf32, #tpu.memory_space<hbm>>
        %dma_start3A_500 = tpu.memref_squeeze %dma_start3A_499 : memref<1x8x1x8x128xf32, #tpu.memory_space<hbm>> -> memref<8x8x128xf32, #tpu.memory_space<hbm>>
        %dma_start3A_501 = arith.constant 0 : i32
        %dma_start3A_502 = arith.constant 0 : i32
        %dma_start3A_503 = arith.constant 0 : i32
        %dma_start3A_504 = tpu.memref_slice %arg8[%dma_start3A_485, %dma_start3A_501, %dma_start3A_502, %dma_start3A_503] : memref<2x8x8x129xf32, #tpu.memory_space<vmem>> -> memref<1x8x8x128xf32, #tpu.memory_space<vmem>>
        %dma_start3A_505 = tpu.memref_squeeze %dma_start3A_504 : memref<1x8x8x128xf32, #tpu.memory_space<vmem>> -> memref<8x8x128xf32, #tpu.memory_space<vmem>>
        tpu.enqueue_dma source(%dma_start3A_505 : memref<8x8x128xf32, #tpu.memory_space<vmem>>) target(%dma_start3A_500 : memref<8x8x128xf32, #tpu.memory_space<hbm>>) target_semaphore(%arg12 : memref<!tpu.dma_semaphore, #tpu.memory_space<semaphore_mem>>)
      } else {
      }
      %add3A_286 = arith.constant 1 : i32
      %add3A_287 = arith.addi %rem3A_168, %add3A_286 : i32
      %get3A_288 = arith.index_cast %add3A_287 : i32 to index
      %get3A_289 = arith.constant 0 : index
      %get3A_290 = tpu.vector_load %arg5[%get3A_288, %get3A_289] {strides = array<i32>} : memref<32x128xi32, #tpu.memory_space<vmem>>, vector<16xi32>,
      %get3A_291 = arith.index_cast %add3A_287 : i32 to index
      %get3A_292 = arith.constant 16 : index
      %get3A_293 = tpu.vector_load %arg5[%get3A_291, %get3A_292] {strides = array<i32>} : memref<32x128xi32, #tpu.memory_space<vmem>>, vector<16xi32>,
      %get3A_294 = arith.index_cast %add3A_287 : i32 to index
      %get3A_295 = arith.constant 32 : index
      %get3A_296 = tpu.vector_load %arg5[%get3A_294, %get3A_295] {strides = array<i32>} : memref<32x128xi32, #tpu.memory_space<vmem>>, vector<16xi32>,
      %get3A_297 = arith.index_cast %add3A_287 : i32 to index
      %get3A_298 = arith.constant 48 : index
      %get3A_299 = tpu.vector_load %arg5[%get3A_297, %get3A_298] {strides = array<i32>} : memref<32x128xi32, #tpu.memory_space<vmem>>, vector<16xi32>,
      %get3A_300 = arith.index_cast %add3A_287 : i32 to index
      %get3A_301 = arith.constant 64 : index
      %get3A_302 = tpu.vector_load %arg5[%get3A_300, %get3A_301] {strides = array<i32>} : memref<32x128xi32, #tpu.memory_space<vmem>>, vector<16xi32>,
      %get3A_303 = arith.index_cast %add3A_287 : i32 to index
      %get3A_304 = arith.constant 80 : index
      %get3A_305 = tpu.vector_load %arg5[%get3A_303, %get3A_304] {strides = array<i32>} : memref<32x128xi32, #tpu.memory_space<vmem>>, vector<16xi32>,
      %get3A_306 = arith.index_cast %add3A_287 : i32 to index
      %get3A_307 = arith.constant 96 : index
      %get3A_308 = tpu.vector_load %arg5[%get3A_306, %get3A_307] {strides = array<i32>} : memref<32x128xi32, #tpu.memory_space<vmem>>, vector<16xi32>,
      %get3A_309 = arith.index_cast %add3A_287 : i32 to index
      %get3A_310 = arith.constant 112 : index
      %get3A_311 = tpu.vector_load %arg5[%get3A_309, %get3A_310] {strides = array<i32>} : memref<32x128xi32, #tpu.memory_space<vmem>>, vector<16xi32>,
      %neg3A_312 = arith.constant 0 : i32
      %neg3A_313 = vector.broadcast %neg3A_312 : i32 to vector<16xi32>
      %neg3A_314 = arith.subi %neg3A_313, %get3A_290 : vector<16xi32>
      %sub3A_315 = arith.constant 1 : i32
      %sub3A_316 = vector.broadcast %sub3A_315 : i32 to vector<16xi32>
      %sub3A_317 = arith.subi %neg3A_314, %sub3A_316 : vector<16xi32>
      %swap3A_318 = arith.constant 1 : i32
      %swap3A_319 = arith.index_cast %swap3A_318 : i32 to index
      %swap3A_320 = arith.constant 0 : index
      %swap3A_321 = tpu.vector_load %arg6[%swap3A_319, %swap3A_320] {strides = array<i32>} : memref<2x128xi32, #tpu.memory_space<vmem>>, vector<16xi32>,
      tpu.vector_store %arg6[%swap3A_319, %swap3A_320], %sub3A_317 {strides = array<i32>} : memref<2x128xi32, #tpu.memory_space<vmem>>, vector<16xi32>,
      %neg3A_322 = arith.constant 0 : i32
      %neg3A_323 = vector.broadcast %neg3A_322 : i32 to vector<16xi32>
      %neg3A_324 = arith.subi %neg3A_323, %get3A_293 : vector<16xi32>
      %sub3A_325 = arith.constant 1 : i32
      %sub3A_326 = vector.broadcast %sub3A_325 : i32 to vector<16xi32>
      %sub3A_327 = arith.subi %neg3A_324, %sub3A_326 : vector<16xi32>
      %swap3A_328 = arith.constant 1 : i32
      %swap3A_329 = arith.index_cast %swap3A_328 : i32 to index
      %swap3A_330 = arith.constant 16 : index
      %swap3A_331 = tpu.vector_load %arg6[%swap3A_329, %swap3A_330] {strides = array<i32>} : memref<2x128xi32, #tpu.memory_space<vmem>>, vector<16xi32>,
      tpu.vector_store %arg6[%swap3A_329, %swap3A_330], %sub3A_327 {strides = array<i32>} : memref<2x128xi32, #tpu.memory_space<vmem>>, vector<16xi32>,
      %neg3A_332 = arith.constant 0 : i32
      %neg3A_333 = vector.broadcast %neg3A_332 : i32 to vector<16xi32>
      %neg3A_334 = arith.subi %neg3A_333, %get3A_296 : vector<16xi32>
      %sub3A_335 = arith.constant 1 : i32
      %sub3A_336 = vector.broadcast %sub3A_335 : i32 to vector<16xi32>
      %sub3A_337 = arith.subi %neg3A_334, %sub3A_336 : vector<16xi32>
      %swap3A_338 = arith.constant 1 : i32
      %swap3A_339 = arith.index_cast %swap3A_338 : i32 to index
      %swap3A_340 = arith.constant 32 : index
      %swap3A_341 = tpu.vector_load %arg6[%swap3A_339, %swap3A_340] {strides = array<i32>} : memref<2x128xi32, #tpu.memory_space<vmem>>, vector<16xi32>,
      tpu.vector_store %arg6[%swap3A_339, %swap3A_340], %sub3A_337 {strides = array<i32>} : memref<2x128xi32, #tpu.memory_space<vmem>>, vector<16xi32>,
      %neg3A_342 = arith.constant 0 : i32
      %neg3A_343 = vector.broadcast %neg3A_342 : i32 to vector<16xi32>
      %neg3A_344 = arith.subi %neg3A_343, %get3A_299 : vector<16xi32>
      %sub3A_345 = arith.constant 1 : i32
      %sub3A_346 = vector.broadcast %sub3A_345 : i32 to vector<16xi32>
      %sub3A_347 = arith.subi %neg3A_344, %sub3A_346 : vector<16xi32>
      %swap3A_348 = arith.constant 1 : i32
      %swap3A_349 = arith.index_cast %swap3A_348 : i32 to index
      %swap3A_350 = arith.constant 48 : index
      %swap3A_351 = tpu.vector_load %arg6[%swap3A_349, %swap3A_350] {strides = array<i32>} : memref<2x128xi32, #tpu.memory_space<vmem>>, vector<16xi32>,
      tpu.vector_store %arg6[%swap3A_349, %swap3A_350], %sub3A_347 {strides = array<i32>} : memref<2x128xi32, #tpu.memory_space<vmem>>, vector<16xi32>,
      %neg3A_352 = arith.constant 0 : i32
      %neg3A_353 = vector.broadcast %neg3A_352 : i32 to vector<16xi32>
      %neg3A_354 = arith.subi %neg3A_353, %get3A_302 : vector<16xi32>
      %sub3A_355 = arith.constant 1 : i32
      %sub3A_356 = vector.broadcast %sub3A_355 : i32 to vector<16xi32>
      %sub3A_357 = arith.subi %neg3A_354, %sub3A_356 : vector<16xi32>
      %swap3A_358 = arith.constant 1 : i32
      %swap3A_359 = arith.index_cast %swap3A_358 : i32 to index
      %swap3A_360 = arith.constant 64 : index
      %swap3A_361 = tpu.vector_load %arg6[%swap3A_359, %swap3A_360] {strides = array<i32>} : memref<2x128xi32, #tpu.memory_space<vmem>>, vector<16xi32>,
      tpu.vector_store %arg6[%swap3A_359, %swap3A_360], %sub3A_357 {strides = array<i32>} : memref<2x128xi32, #tpu.memory_space<vmem>>, vector<16xi32>,
      %neg3A_362 = arith.constant 0 : i32
      %neg3A_363 = vector.broadcast %neg3A_362 : i32 to vector<16xi32>
      %neg3A_364 = arith.subi %neg3A_363, %get3A_305 : vector<16xi32>
      %sub3A_365 = arith.constant 1 : i32
      %sub3A_366 = vector.broadcast %sub3A_365 : i32 to vector<16xi32>
      %sub3A_367 = arith.subi %neg3A_364, %sub3A_366 : vector<16xi32>
      %swap3A_368 = arith.constant 1 : i32
      %swap3A_369 = arith.index_cast %swap3A_368 : i32 to index
      %swap3A_370 = arith.constant 80 : index
      %swap3A_371 = tpu.vector_load %arg6[%swap3A_369, %swap3A_370] {strides = array<i32>} : memref<2x128xi32, #tpu.memory_space<vmem>>, vector<16xi32>,
      tpu.vector_store %arg6[%swap3A_369, %swap3A_370], %sub3A_367 {strides = array<i32>} : memref<2x128xi32, #tpu.memory_space<vmem>>, vector<16xi32>,
      %neg3A_372 = arith.constant 0 : i32
      %neg3A_373 = vector.broadcast %neg3A_372 : i32 to vector<16xi32>
      %neg3A_374 = arith.subi %neg3A_373, %get3A_308 : vector<16xi32>
      %sub3A_375 = arith.constant 1 : i32
      %sub3A_376 = vector.broadcast %sub3A_375 : i32 to vector<16xi32>
      %sub3A_377 = arith.subi %neg3A_374, %sub3A_376 : vector<16xi32>
      %swap3A_378 = arith.constant 1 : i32
      %swap3A_379 = arith.index_cast %swap3A_378 : i32 to index
      %swap3A_380 = arith.constant 96 : index
      %swap3A_381 = tpu.vector_load %arg6[%swap3A_379, %swap3A_380] {strides = array<i32>} : memref<2x128xi32, #tpu.memory_space<vmem>>, vector<16xi32>,
      tpu.vector_store %arg6[%swap3A_379, %swap3A_380], %sub3A_377 {strides = array<i32>} : memref<2x128xi32, #tpu.memory_space<vmem>>, vector<16xi32>,
      %neg3A_382 = arith.constant 0 : i32
      %neg3A_383 = vector.broadcast %neg3A_382 : i32 to vector<16xi32>
      %neg3A_384 = arith.subi %neg3A_383, %get3A_311 : vector<16xi32>
      %sub3A_385 = arith.constant 1 : i32
      %sub3A_386 = vector.broadcast %sub3A_385 : i32 to vector<16xi32>
      %sub3A_387 = arith.subi %neg3A_384, %sub3A_386 : vector<16xi32>
      %swap3A_388 = arith.constant 1 : i32
      %swap3A_389 = arith.index_cast %swap3A_388 : i32 to index
      %swap3A_390 = arith.constant 112 : index
      %swap3A_391 = tpu.vector_load %arg6[%swap3A_389, %swap3A_390] {strides = array<i32>} : memref<2x128xi32, #tpu.memory_space<vmem>>, vector<16xi32>,
      tpu.vector_store %arg6[%swap3A_389, %swap3A_390], %sub3A_387 {strides = array<i32>} : memref<2x128xi32, #tpu.memory_space<vmem>>, vector<16xi32>,
      %dma_start3A_392 = arith.constant 1 : i32
      %dma_start3A_393 = arith.constant 1 : i32
      %dma_start3A_394 = arith.constant 0 : i32
      %dma_start3A_395 = arith.constant 0 : i32
      %dma_start3A_396 = tpu.memref_slice %arg7[%dma_start3A_393, %dma_start3A_394, %dma_start3A_395] : memref<2x128x64xf32, #tpu.memory_space<vmem>> -> memref<1x128x64xf32, #tpu.memory_space<vmem>>
      %dma_start3A_397 = tpu.memref_squeeze %dma_start3A_396 : memref<1x128x64xf32, #tpu.memory_space<vmem>> -> memref<128x64xf32, #tpu.memory_space<vmem>>
      %dma_start3A_398 = arith.constant 0 : i32
      %dma_start3A_399 = tpu.memref_slice %arg6[%dma_start3A_392, %dma_start3A_398] : memref<2x128xi32, #tpu.memory_space<vmem>> -> memref<1x128xi32, #tpu.memory_space<vmem>>
      %dma_start3A_400 = tpu.memref_squeeze %dma_start3A_399 : memref<1x128xi32, #tpu.memory_space<vmem>> -> memref<128xi32, #tpu.memory_space<vmem>>
      %dma_start3A_401 = arith.constant 0 : i32
      %dma_start3A_402 = arith.constant 0 : i32
      %dma_start3A_403 = tpu.memref_slice %arg3[%dma_start3A_401, %dma_start3A_402] : memref<1000000x64xf32, #tpu.memory_space<hbm>> -> memref<1000000x64xf32, #tpu.memory_space<hbm>>
      tpu.enqueue_indirect_dma source(%dma_start3A_403 : memref<1000000x64xf32, #tpu.memory_space<hbm>>) target(%dma_start3A_397 : memref<128x64xf32, #tpu.memory_space<vmem>>) offsets(%dma_start3A_400 : memref<128xi32, #tpu.memory_space<vmem>>) semaphore(%arg10 : memref<!tpu.dma_semaphore, #tpu.memory_space<semaphore_mem>>)
      %dma_wait3A_404 = arith.constant 0 : i32
      %dma_wait3A_405 = arith.constant 0 : i32
      %dma_wait3A_406 = arith.constant 0 : i32
      %dma_wait3A_407 = arith.constant 0 : i32
      %dma_wait3A_408 = tpu.memref_slice %arg7[%dma_wait3A_405, %dma_wait3A_406, %dma_wait3A_407] : memref<2x128x64xf32, #tpu.memory_space<vmem>> -> memref<1x128x64xf32, #tpu.memory_space<vmem>>
      %dma_wait3A_409 = tpu.memref_squeeze %dma_wait3A_408 : memref<1x128x64xf32, #tpu.memory_space<vmem>> -> memref<128x64xf32, #tpu.memory_space<vmem>>
      %dma_wait3A_410 = arith.constant 0 : i32
      %dma_wait3A_411 = tpu.memref_slice %arg6[%dma_wait3A_404, %dma_wait3A_410] : memref<2x128xi32, #tpu.memory_space<vmem>> -> memref<1x128xi32, #tpu.memory_space<vmem>>
      %dma_wait3A_412 = tpu.memref_squeeze %dma_wait3A_411 : memref<1x128xi32, #tpu.memory_space<vmem>> -> memref<128xi32, #tpu.memory_space<vmem>>
      %dma_wait3A_413 = arith.constant 0 : i32
      %dma_wait3A_414 = arith.constant 0 : i32
      %dma_wait3A_415 = tpu.memref_slice %arg3[%dma_wait3A_413, %dma_wait3A_414] : memref<1000000x64xf32, #tpu.memory_space<hbm>> -> memref<1000000x64xf32, #tpu.memory_space<hbm>>
      tpu.wait_indirect_dma semaphore(%arg9 : memref<!tpu.dma_semaphore, #tpu.memory_space<semaphore_mem>>) src(%dma_wait3A_415 : memref<1000000x64xf32, #tpu.memory_space<hbm>>) dst(%dma_wait3A_409 : memref<128x64xf32, #tpu.memory_space<vmem>>)
      %ge3A_416 = arith.constant 1 : i32
      %ge3A_417 = arith.cmpi sge, %scan3A_159, %ge3A_416 : i32
      %convert_element_type3A_418 = arith.extui %ge3A_417 : i1 to i32
      %cond3A_419 = arith.constant 0 : i32
      %cond3A_420 = arith.cmpi ne, %convert_element_type3A_418, %cond3A_419 : i32
      scf.if %cond3A_420 {
        %sub3A_454 = arith.constant 2 : i32
        %sub3A_455 = arith.subi %add3A_162, %sub3A_454 : i32
        %div3A_456 = arith.constant 128 : i32
        %div3A_457 = arith.divsi %sub3A_455, %div3A_456 : i32
        %rem3A_458 = arith.constant 128 : i32
        %rem3A_459 = arith.remsi %sub3A_455, %rem3A_458 : i32
        %dma_wait3A_460 = arith.constant 0 : i32
        %dma_wait3A_461 = arith.constant 0 : i32
        %dma_wait3A_462 = arith.constant 0 : i32
        %dma_wait3A_463 = arith.constant 0 : i32
        %dma_wait3A_464 = tpu.memref_slice %arg8[%dma_wait3A_460, %dma_wait3A_461, %dma_wait3A_462, %dma_wait3A_463] : memref<2x8x8x129xf32, #tpu.memory_space<vmem>> -> memref<1x8x8x128xf32, #tpu.memory_space<vmem>>
        %dma_wait3A_465 = tpu.memref_squeeze %dma_wait3A_464 : memref<1x8x8x128xf32, #tpu.memory_space<vmem>> -> memref<8x8x128xf32, #tpu.memory_space<vmem>>
        %dma_wait3A_466 = arith.constant 0 : i32
        %dma_wait3A_467 = arith.constant 0 : i32
        %dma_wait3A_468 = arith.constant 0 : i32
        %dma_wait3A_469 = tpu.memref_slice %arg4[%div3A_457, %dma_wait3A_466, %rem3A_459, %dma_wait3A_467, %dma_wait3A_468] : memref<200x8x128x8x128xf32, #tpu.memory_space<hbm>> -> memref<1x8x1x8x128xf32, #tpu.memory_space<hbm>>
        %dma_wait3A_470 = tpu.memref_squeeze %dma_wait3A_469 : memref<1x8x1x8x128xf32, #tpu.memory_space<hbm>> -> memref<8x8x128xf32, #tpu.memory_space<hbm>>
        %dma_wait3A_471 = arith.constant 0 : i32
        %dma_wait3A_472 = arith.constant 0 : i32
        %dma_wait3A_473 = arith.constant 0 : i32
        %dma_wait3A_474 = tpu.memref_slice %arg4[%div3A_457, %dma_wait3A_471, %rem3A_459, %dma_wait3A_472, %dma_wait3A_473] : memref<200x8x128x8x128xf32, #tpu.memory_space<hbm>> -> memref<1x8x1x8x128xf32, #tpu.memory_space<hbm>>
        %dma_wait3A_475 = tpu.memref_squeeze %dma_wait3A_474 : memref<1x8x1x8x128xf32, #tpu.memory_space<hbm>> -> memref<8x8x128xf32, #tpu.memory_space<hbm>>
        %dma_wait3A_476 = arith.constant 0 : i32
        %dma_wait3A_477 = arith.constant 0 : i32
        %dma_wait3A_478 = arith.constant 0 : i32
        %dma_wait3A_479 = tpu.memref_slice %arg8[%dma_wait3A_460, %dma_wait3A_476, %dma_wait3A_477, %dma_wait3A_478] : memref<2x8x8x129xf32, #tpu.memory_space<vmem>> -> memref<1x8x8x128xf32, #tpu.memory_space<vmem>>
        %dma_wait3A_480 = tpu.memref_squeeze %dma_wait3A_479 : memref<1x8x8x128xf32, #tpu.memory_space<vmem>> -> memref<8x8x128xf32, #tpu.memory_space<vmem>>
        tpu.wait_dma2 semaphore(%arg11 : memref<!tpu.dma_semaphore, #tpu.memory_space<semaphore_mem>>) src(%dma_wait3A_480 : memref<8x8x128xf32, #tpu.memory_space<vmem>>) dst(%dma_wait3A_475 : memref<8x8x128xf32, #tpu.memory_space<hbm>>)
      } else {
      }
      %broadcast_in_dim3A_421 = arith.constant 0 : i32
      %broadcast_in_dim3A_422 = vector.broadcast %broadcast_in_dim3A_421 : i32 to vector<16xi32>
      %scan3A_423 = arith.constant 0 : i32
      %scan3A_424 = arith.constant 64 : i32
      %scan3A_425 = arith.addi %scan3A_423, %scan3A_424 : i32
      %scan3A_426 = arith.constant 2 : i32
      %scan3A_427 = scf.for %scan3A_454 = %scan3A_423 to %scan3A_425 step %scan3A_426 iter_args(%scan3A_455 = %broadcast_in_dim3A_422) -> (vector<16xi32>)  : i32 {
        %mul3A_456 = arith.constant 2 : i32
        %mul3A_457 = arith.muli %mul3A_456, %scan3A_454 : i32
        %add3A_458 = arith.addi %scan3A_455, %broadcast_in_dim3A_28 : vector<16xi32>
        %add3A_459 = arith.constant 0 : i32
        %add3A_460 = arith.addi %mul3A_457, %add3A_459 : i32
        %get3A_461 = arith.constant 0 : i32
        %get3A_462 = arith.index_cast %get3A_461 : i32 to index
        %get3A_463 = arith.index_cast %add3A_460 : i32 to index
        %get3A_464 = arith.constant 0 : index
        %get3A_465 = tpu.vector_load %arg7[%get3A_462, %get3A_463, %get3A_464] {strides = array<i32>} : memref<2x128x64xf32, #tpu.memory_space<vmem>>, vector<16xf32>,
        %add3A_466 = arith.constant 0 : i32
        %add3A_467 = arith.addi %mul3A_457, %add3A_466 : i32
        %get3A_468 = arith.constant 0 : i32
        %get3A_469 = arith.index_cast %get3A_468 : i32 to index
        %get3A_470 = arith.index_cast %add3A_467 : i32 to index
        %get3A_471 = arith.constant 16 : index
        %get3A_472 = tpu.vector_load %arg7[%get3A_469, %get3A_470, %get3A_471] {strides = array<i32>} : memref<2x128x64xf32, #tpu.memory_space<vmem>>, vector<16xf32>,
        %add3A_473 = arith.constant 0 : i32
        %add3A_474 = arith.addi %mul3A_457, %add3A_473 : i32
        %get3A_475 = arith.constant 0 : i32
        %get3A_476 = arith.index_cast %get3A_475 : i32 to index
        %get3A_477 = arith.index_cast %add3A_474 : i32 to index
        %get3A_478 = arith.constant 32 : index
        %get3A_479 = tpu.vector_load %arg7[%get3A_476, %get3A_477, %get3A_478] {strides = array<i32>} : memref<2x128x64xf32, #tpu.memory_space<vmem>>, vector<16xf32>,
        %add3A_480 = arith.constant 0 : i32
        %add3A_481 = arith.addi %mul3A_457, %add3A_480 : i32
        %get3A_482 = arith.constant 0 : i32
        %get3A_483 = arith.index_cast %get3A_482 : i32 to index
        %get3A_484 = arith.index_cast %add3A_481 : i32 to index
        %get3A_485 = arith.constant 48 : index
        %get3A_486 = tpu.vector_load %arg7[%get3A_483, %get3A_484, %get3A_485] {strides = array<i32>} : memref<2x128x64xf32, #tpu.memory_space<vmem>>, vector<16xf32>,
        %add3A_487 = arith.constant 1 : i32
        %add3A_488 = arith.addi %mul3A_457, %add3A_487 : i32
        %get3A_489 = arith.constant 0 : i32
        %get3A_490 = arith.index_cast %get3A_489 : i32 to index
        %get3A_491 = arith.index_cast %add3A_488 : i32 to index
        %get3A_492 = arith.constant 0 : index
        %get3A_493 = tpu.vector_load %arg7[%get3A_490, %get3A_491, %get3A_492] {strides = array<i32>} : memref<2x128x64xf32, #tpu.memory_space<vmem>>, vector<16xf32>,
        %add3A_494 = arith.constant 1 : i32
        %add3A_495 = arith.addi %mul3A_457, %add3A_494 : i32
        %get3A_496 = arith.constant 0 : i32
        %get3A_497 = arith.index_cast %get3A_496 : i32 to index
        %get3A_498 = arith.index_cast %add3A_495 : i32 to index
        %get3A_499 = arith.constant 16 : index
        %get3A_500 = tpu.vector_load %arg7[%get3A_497, %get3A_498, %get3A_499] {strides = array<i32>} : memref<2x128x64xf32, #tpu.memory_space<vmem>>, vector<16xf32>,
        %add3A_501 = arith.constant 1 : i32
        %add3A_502 = arith.addi %mul3A_457, %add3A_501 : i32
        %get3A_503 = arith.constant 0 : i32
        %get3A_504 = arith.index_cast %get3A_503 : i32 to index
        %get3A_505 = arith.index_cast %add3A_502 : i32 to index
        %get3A_506 = arith.constant 32 : index
        %get3A_507 = tpu.vector_load %arg7[%get3A_504, %get3A_505, %get3A_506] {strides = array<i32>} : memref<2x128x64xf32, #tpu.memory_space<vmem>>, vector<16xf32>,
        %add3A_508 = arith.constant 1 : i32
        %add3A_509 = arith.addi %mul3A_457, %add3A_508 : i32
        %get3A_510 = arith.constant 0 : i32
        %get3A_511 = arith.index_cast %get3A_510 : i32 to index
        %get3A_512 = arith.index_cast %add3A_509 : i32 to index
        %get3A_513 = arith.constant 48 : index
        %get3A_514 = tpu.vector_load %arg7[%get3A_511, %get3A_512, %get3A_513] {strides = array<i32>} : memref<2x128x64xf32, #tpu.memory_space<vmem>>, vector<16xf32>,
        %scatter3A = arith.constant 0 : i32
        %scatter3A_515 = arith.constant 0 : i32
        %scatter3A_516 = arith.constant 0 : i32
        %scatter3A_517 = arith.constant 0 : i32
        %scatter3A_518 = tpu.memref_slice %arg8[%scatter3A, %scatter3A_515, %scatter3A_516, %scatter3A_517] : memref<2x8x8x129xf32, #tpu.memory_space<vmem>> -> memref<1x8x8x129xf32, #tpu.memory_space<vmem>>
        %scatter3A_519 = tpu.memref_squeeze %scatter3A_518 : memref<1x8x8x129xf32, #tpu.memory_space<vmem>> -> memref<8x8x129xf32, #tpu.memory_space<vmem>>
        tpu.vector_store_idx %scatter3A_519[%add3A_9, %rem3A_4, %scan3A_455], %get3A_465 : memref<8x8x129xf32, #tpu.memory_space<vmem>>[vector<16xi32>, vector<16xi32>, vector<16xi32>], vector<16xf32>,
        %scatter3A_520 = arith.constant 0 : i32
        %scatter3A_521 = arith.constant 0 : i32
        %scatter3A_522 = arith.constant 0 : i32
        %scatter3A_523 = arith.constant 0 : i32
        %scatter3A_524 = tpu.memref_slice %arg8[%scatter3A_520, %scatter3A_521, %scatter3A_522, %scatter3A_523] : memref<2x8x8x129xf32, #tpu.memory_space<vmem>> -> memref<1x8x8x129xf32, #tpu.memory_space<vmem>>
        %scatter3A_525 = tpu.memref_squeeze %scatter3A_524 : memref<1x8x8x129xf32, #tpu.memory_space<vmem>> -> memref<8x8x129xf32, #tpu.memory_space<vmem>>
        tpu.vector_store_idx %scatter3A_525[%add3A_15, %rem3A_4, %scan3A_455], %get3A_472 : memref<8x8x129xf32, #tpu.memory_space<vmem>>[vector<16xi32>, vector<16xi32>, vector<16xi32>], vector<16xf32>,
        %scatter3A_526 = arith.constant 0 : i32
        %scatter3A_527 = arith.constant 0 : i32
        %scatter3A_528 = arith.constant 0 : i32
        %scatter3A_529 = arith.constant 0 : i32
        %scatter3A_530 = tpu.memref_slice %arg8[%scatter3A_526, %scatter3A_527, %scatter3A_528, %scatter3A_529] : memref<2x8x8x129xf32, #tpu.memory_space<vmem>> -> memref<1x8x8x129xf32, #tpu.memory_space<vmem>>
        %scatter3A_531 = tpu.memref_squeeze %scatter3A_530 : memref<1x8x8x129xf32, #tpu.memory_space<vmem>> -> memref<8x8x129xf32, #tpu.memory_space<vmem>>
        tpu.vector_store_idx %scatter3A_531[%add3A_21, %rem3A_4, %scan3A_455], %get3A_479 : memref<8x8x129xf32, #tpu.memory_space<vmem>>[vector<16xi32>, vector<16xi32>, vector<16xi32>], vector<16xf32>,
        %scatter3A_532 = arith.constant 0 : i32
        %scatter3A_533 = arith.constant 0 : i32
        %scatter3A_534 = arith.constant 0 : i32
        %scatter3A_535 = arith.constant 0 : i32
        %scatter3A_536 = tpu.memref_slice %arg8[%scatter3A_532, %scatter3A_533, %scatter3A_534, %scatter3A_535] : memref<2x8x8x129xf32, #tpu.memory_space<vmem>> -> memref<1x8x8x129xf32, #tpu.memory_space<vmem>>
        %scatter3A_537 = tpu.memref_squeeze %scatter3A_536 : memref<1x8x8x129xf32, #tpu.memory_space<vmem>> -> memref<8x8x129xf32, #tpu.memory_space<vmem>>
        tpu.vector_store_idx %scatter3A_537[%add3A_27, %rem3A_4, %scan3A_455], %get3A_486 : memref<8x8x129xf32, #tpu.memory_space<vmem>>[vector<16xi32>, vector<16xi32>, vector<16xi32>], vector<16xf32>,
        %scatter3A_538 = arith.constant 0 : i32
        %scatter3A_539 = arith.constant 0 : i32
        %scatter3A_540 = arith.constant 0 : i32
        %scatter3A_541 = arith.constant 0 : i32
        %scatter3A_542 = tpu.memref_slice %arg8[%scatter3A_538, %scatter3A_539, %scatter3A_540, %scatter3A_541] : memref<2x8x8x129xf32, #tpu.memory_space<vmem>> -> memref<1x8x8x129xf32, #tpu.memory_space<vmem>>
        %scatter3A_543 = tpu.memref_squeeze %scatter3A_542 : memref<1x8x8x129xf32, #tpu.memory_space<vmem>> -> memref<8x8x129xf32, #tpu.memory_space<vmem>>
        tpu.vector_store_idx %scatter3A_543[%add3A_9, %rem3A_4, %add3A_458], %get3A_493 : memref<8x8x129xf32, #tpu.memory_space<vmem>>[vector<16xi32>, vector<16xi32>, vector<16xi32>], vector<16xf32>,
        %scatter3A_544 = arith.constant 0 : i32
        %scatter3A_545 = arith.constant 0 : i32
        %scatter3A_546 = arith.constant 0 : i32
        %scatter3A_547 = arith.constant 0 : i32
        %scatter3A_548 = tpu.memref_slice %arg8[%scatter3A_544, %scatter3A_545, %scatter3A_546, %scatter3A_547] : memref<2x8x8x129xf32, #tpu.memory_space<vmem>> -> memref<1x8x8x129xf32, #tpu.memory_space<vmem>>
        %scatter3A_549 = tpu.memref_squeeze %scatter3A_548 : memref<1x8x8x129xf32, #tpu.memory_space<vmem>> -> memref<8x8x129xf32, #tpu.memory_space<vmem>>
        tpu.vector_store_idx %scatter3A_549[%add3A_15, %rem3A_4, %add3A_458], %get3A_500 : memref<8x8x129xf32, #tpu.memory_space<vmem>>[vector<16xi32>, vector<16xi32>, vector<16xi32>], vector<16xf32>,
        %scatter3A_550 = arith.constant 0 : i32
        %scatter3A_551 = arith.constant 0 : i32
        %scatter3A_552 = arith.constant 0 : i32
        %scatter3A_553 = arith.constant 0 : i32
        %scatter3A_554 = tpu.memref_slice %arg8[%scatter3A_550, %scatter3A_551, %scatter3A_552, %scatter3A_553] : memref<2x8x8x129xf32, #tpu.memory_space<vmem>> -> memref<1x8x8x129xf32, #tpu.memory_space<vmem>>
        %scatter3A_555 = tpu.memref_squeeze %scatter3A_554 : memref<1x8x8x129xf32, #tpu.memory_space<vmem>> -> memref<8x8x129xf32, #tpu.memory_space<vmem>>
        tpu.vector_store_idx %scatter3A_555[%add3A_21, %rem3A_4, %add3A_458], %get3A_507 : memref<8x8x129xf32, #tpu.memory_space<vmem>>[vector<16xi32>, vector<16xi32>, vector<16xi32>], vector<16xf32>,
        %scatter3A_556 = arith.constant 0 : i32
        %scatter3A_557 = arith.constant 0 : i32
        %scatter3A_558 = arith.constant 0 : i32
        %scatter3A_559 = arith.constant 0 : i32
        %scatter3A_560 = tpu.memref_slice %arg8[%scatter3A_556, %scatter3A_557, %scatter3A_558, %scatter3A_559] : memref<2x8x8x129xf32, #tpu.memory_space<vmem>> -> memref<1x8x8x129xf32, #tpu.memory_space<vmem>>
        %scatter3A_561 = tpu.memref_squeeze %scatter3A_560 : memref<1x8x8x129xf32, #tpu.memory_space<vmem>> -> memref<8x8x129xf32, #tpu.memory_space<vmem>>
        tpu.vector_store_idx %scatter3A_561[%add3A_27, %rem3A_4, %add3A_458], %get3A_514 : memref<8x8x129xf32, #tpu.memory_space<vmem>>[vector<16xi32>, vector<16xi32>, vector<16xi32>], vector<16xf32>,
        %add3A_562 = arith.addi %add3A_458, %broadcast_in_dim3A_28 : vector<16xi32>
        %scan3A_563 = arith.constant 1 : i32
        %scan3A_564 = arith.addi %scan3A_454, %scan3A_563 : i32
        %mul3A_565 = arith.constant 2 : i32
        %mul3A_566 = arith.muli %mul3A_565, %scan3A_564 : i32
        %add3A_567 = arith.addi %add3A_562, %broadcast_in_dim3A_28 : vector<16xi32>
        %add3A_568 = arith.constant 0 : i32
        %add3A_569 = arith.addi %mul3A_566, %add3A_568 : i32
        %get3A_570 = arith.constant 0 : i32
        %get3A_571 = arith.index_cast %get3A_570 : i32 to index
        %get3A_572 = arith.index_cast %add3A_569 : i32 to index
        %get3A_573 = arith.constant 0 : index
        %get3A_574 = tpu.vector_load %arg7[%get3A_571, %get3A_572, %get3A_573] {strides = array<i32>} : memref<2x128x64xf32, #tpu.memory_space<vmem>>, vector<16xf32>,
        %add3A_575 = arith.constant 0 : i32
        %add3A_576 = arith.addi %mul3A_566, %add3A_575 : i32
        %get3A_577 = arith.constant 0 : i32
        %get3A_578 = arith.index_cast %get3A_577 : i32 to index
        %get3A_579 = arith.index_cast %add3A_576 : i32 to index
        %get3A_580 = arith.constant 16 : index
        %get3A_581 = tpu.vector_load %arg7[%get3A_578, %get3A_579, %get3A_580] {strides = array<i32>} : memref<2x128x64xf32, #tpu.memory_space<vmem>>, vector<16xf32>,
        %add3A_582 = arith.constant 0 : i32
        %add3A_583 = arith.addi %mul3A_566, %add3A_582 : i32
        %get3A_584 = arith.constant 0 : i32
        %get3A_585 = arith.index_cast %get3A_584 : i32 to index
        %get3A_586 = arith.index_cast %add3A_583 : i32 to index
        %get3A_587 = arith.constant 32 : index
        %get3A_588 = tpu.vector_load %arg7[%get3A_585, %get3A_586, %get3A_587] {strides = array<i32>} : memref<2x128x64xf32, #tpu.memory_space<vmem>>, vector<16xf32>,
        %add3A_589 = arith.constant 0 : i32
        %add3A_590 = arith.addi %mul3A_566, %add3A_589 : i32
        %get3A_591 = arith.constant 0 : i32
        %get3A_592 = arith.index_cast %get3A_591 : i32 to index
        %get3A_593 = arith.index_cast %add3A_590 : i32 to index
        %get3A_594 = arith.constant 48 : index
        %get3A_595 = tpu.vector_load %arg7[%get3A_592, %get3A_593, %get3A_594] {strides = array<i32>} : memref<2x128x64xf32, #tpu.memory_space<vmem>>, vector<16xf32>,
        %add3A_596 = arith.constant 1 : i32
        %add3A_597 = arith.addi %mul3A_566, %add3A_596 : i32
        %get3A_598 = arith.constant 0 : i32
        %get3A_599 = arith.index_cast %get3A_598 : i32 to index
        %get3A_600 = arith.index_cast %add3A_597 : i32 to index
        %get3A_601 = arith.constant 0 : index
        %get3A_602 = tpu.vector_load %arg7[%get3A_599, %get3A_600, %get3A_601] {strides = array<i32>} : memref<2x128x64xf32, #tpu.memory_space<vmem>>, vector<16xf32>,
        %add3A_603 = arith.constant 1 : i32
        %add3A_604 = arith.addi %mul3A_566, %add3A_603 : i32
        %get3A_605 = arith.constant 0 : i32
        %get3A_606 = arith.index_cast %get3A_605 : i32 to index
        %get3A_607 = arith.index_cast %add3A_604 : i32 to index
        %get3A_608 = arith.constant 16 : index
        %get3A_609 = tpu.vector_load %arg7[%get3A_606, %get3A_607, %get3A_608] {strides = array<i32>} : memref<2x128x64xf32, #tpu.memory_space<vmem>>, vector<16xf32>,
        %add3A_610 = arith.constant 1 : i32
        %add3A_611 = arith.addi %mul3A_566, %add3A_610 : i32
        %get3A_612 = arith.constant 0 : i32
        %get3A_613 = arith.index_cast %get3A_612 : i32 to index
        %get3A_614 = arith.index_cast %add3A_611 : i32 to index
        %get3A_615 = arith.constant 32 : index
        %get3A_616 = tpu.vector_load %arg7[%get3A_613, %get3A_614, %get3A_615] {strides = array<i32>} : memref<2x128x64xf32, #tpu.memory_space<vmem>>, vector<16xf32>,
        %add3A_617 = arith.constant 1 : i32
        %add3A_618 = arith.addi %mul3A_566, %add3A_617 : i32
        %get3A_619 = arith.constant 0 : i32
        %get3A_620 = arith.index_cast %get3A_619 : i32 to index
        %get3A_621 = arith.index_cast %add3A_618 : i32 to index
        %get3A_622 = arith.constant 48 : index
        %get3A_623 = tpu.vector_load %arg7[%get3A_620, %get3A_621, %get3A_622] {strides = array<i32>} : memref<2x128x64xf32, #tpu.memory_space<vmem>>, vector<16xf32>,
        %scatter3A_624 = arith.constant 0 : i32
        %scatter3A_625 = arith.constant 0 : i32
        %scatter3A_626 = arith.constant 0 : i32
        %scatter3A_627 = arith.constant 0 : i32
        %scatter3A_628 = tpu.memref_slice %arg8[%scatter3A_624, %scatter3A_625, %scatter3A_626, %scatter3A_627] : memref<2x8x8x129xf32, #tpu.memory_space<vmem>> -> memref<1x8x8x129xf32, #tpu.memory_space<vmem>>
        %scatter3A_629 = tpu.memref_squeeze %scatter3A_628 : memref<1x8x8x129xf32, #tpu.memory_space<vmem>> -> memref<8x8x129xf32, #tpu.memory_space<vmem>>
        tpu.vector_store_idx %scatter3A_629[%add3A_9, %rem3A_4, %add3A_562], %get3A_574 : memref<8x8x129xf32, #tpu.memory_space<vmem>>[vector<16xi32>, vector<16xi32>, vector<16xi32>], vector<16xf32>,
        %scatter3A_630 = arith.constant 0 : i32
        %scatter3A_631 = arith.constant 0 : i32
        %scatter3A_632 = arith.constant 0 : i32
        %scatter3A_633 = arith.constant 0 : i32
        %scatter3A_634 = tpu.memref_slice %arg8[%scatter3A_630, %scatter3A_631, %scatter3A_632, %scatter3A_633] : memref<2x8x8x129xf32, #tpu.memory_space<vmem>> -> memref<1x8x8x129xf32, #tpu.memory_space<vmem>>
        %scatter3A_635 = tpu.memref_squeeze %scatter3A_634 : memref<1x8x8x129xf32, #tpu.memory_space<vmem>> -> memref<8x8x129xf32, #tpu.memory_space<vmem>>
        tpu.vector_store_idx %scatter3A_635[%add3A_15, %rem3A_4, %add3A_562], %get3A_581 : memref<8x8x129xf32, #tpu.memory_space<vmem>>[vector<16xi32>, vector<16xi32>, vector<16xi32>], vector<16xf32>,
        %scatter3A_636 = arith.constant 0 : i32
        %scatter3A_637 = arith.constant 0 : i32
        %scatter3A_638 = arith.constant 0 : i32
        %scatter3A_639 = arith.constant 0 : i32
        %scatter3A_640 = tpu.memref_slice %arg8[%scatter3A_636, %scatter3A_637, %scatter3A_638, %scatter3A_639] : memref<2x8x8x129xf32, #tpu.memory_space<vmem>> -> memref<1x8x8x129xf32, #tpu.memory_space<vmem>>
        %scatter3A_641 = tpu.memref_squeeze %scatter3A_640 : memref<1x8x8x129xf32, #tpu.memory_space<vmem>> -> memref<8x8x129xf32, #tpu.memory_space<vmem>>
        tpu.vector_store_idx %scatter3A_641[%add3A_21, %rem3A_4, %add3A_562], %get3A_588 : memref<8x8x129xf32, #tpu.memory_space<vmem>>[vector<16xi32>, vector<16xi32>, vector<16xi32>], vector<16xf32>,
        %scatter3A_642 = arith.constant 0 : i32
        %scatter3A_643 = arith.constant 0 : i32
        %scatter3A_644 = arith.constant 0 : i32
        %scatter3A_645 = arith.constant 0 : i32
        %scatter3A_646 = tpu.memref_slice %arg8[%scatter3A_642, %scatter3A_643, %scatter3A_644, %scatter3A_645] : memref<2x8x8x129xf32, #tpu.memory_space<vmem>> -> memref<1x8x8x129xf32, #tpu.memory_space<vmem>>
        %scatter3A_647 = tpu.memref_squeeze %scatter3A_646 : memref<1x8x8x129xf32, #tpu.memory_space<vmem>> -> memref<8x8x129xf32, #tpu.memory_space<vmem>>
        tpu.vector_store_idx %scatter3A_647[%add3A_27, %rem3A_4, %add3A_562], %get3A_595 : memref<8x8x129xf32, #tpu.memory_space<vmem>>[vector<16xi32>, vector<16xi32>, vector<16xi32>], vector<16xf32>,
        %scatter3A_648 = arith.constant 0 : i32
        %scatter3A_649 = arith.constant 0 : i32
        %scatter3A_650 = arith.constant 0 : i32
        %scatter3A_651 = arith.constant 0 : i32
        %scatter3A_652 = tpu.memref_slice %arg8[%scatter3A_648, %scatter3A_649, %scatter3A_650, %scatter3A_651] : memref<2x8x8x129xf32, #tpu.memory_space<vmem>> -> memref<1x8x8x129xf32, #tpu.memory_space<vmem>>
        %scatter3A_653 = tpu.memref_squeeze %scatter3A_652 : memref<1x8x8x129xf32, #tpu.memory_space<vmem>> -> memref<8x8x129xf32, #tpu.memory_space<vmem>>
        tpu.vector_store_idx %scatter3A_653[%add3A_9, %rem3A_4, %add3A_567], %get3A_602 : memref<8x8x129xf32, #tpu.memory_space<vmem>>[vector<16xi32>, vector<16xi32>, vector<16xi32>], vector<16xf32>,
        %scatter3A_654 = arith.constant 0 : i32
        %scatter3A_655 = arith.constant 0 : i32
        %scatter3A_656 = arith.constant 0 : i32
        %scatter3A_657 = arith.constant 0 : i32
        %scatter3A_658 = tpu.memref_slice %arg8[%scatter3A_654, %scatter3A_655, %scatter3A_656, %scatter3A_657] : memref<2x8x8x129xf32, #tpu.memory_space<vmem>> -> memref<1x8x8x129xf32, #tpu.memory_space<vmem>>
        %scatter3A_659 = tpu.memref_squeeze %scatter3A_658 : memref<1x8x8x129xf32, #tpu.memory_space<vmem>> -> memref<8x8x129xf32, #tpu.memory_space<vmem>>
        tpu.vector_store_idx %scatter3A_659[%add3A_15, %rem3A_4, %add3A_567], %get3A_609 : memref<8x8x129xf32, #tpu.memory_space<vmem>>[vector<16xi32>, vector<16xi32>, vector<16xi32>], vector<16xf32>,
        %scatter3A_660 = arith.constant 0 : i32
        %scatter3A_661 = arith.constant 0 : i32
        %scatter3A_662 = arith.constant 0 : i32
        %scatter3A_663 = arith.constant 0 : i32
        %scatter3A_664 = tpu.memref_slice %arg8[%scatter3A_660, %scatter3A_661, %scatter3A_662, %scatter3A_663] : memref<2x8x8x129xf32, #tpu.memory_space<vmem>> -> memref<1x8x8x129xf32, #tpu.memory_space<vmem>>
        %scatter3A_665 = tpu.memref_squeeze %scatter3A_664 : memref<1x8x8x129xf32, #tpu.memory_space<vmem>> -> memref<8x8x129xf32, #tpu.memory_space<vmem>>
        tpu.vector_store_idx %scatter3A_665[%add3A_21, %rem3A_4, %add3A_567], %get3A_616 : memref<8x8x129xf32, #tpu.memory_space<vmem>>[vector<16xi32>, vector<16xi32>, vector<16xi32>], vector<16xf32>,
        %scatter3A_666 = arith.constant 0 : i32
        %scatter3A_667 = arith.constant 0 : i32
        %scatter3A_668 = arith.constant 0 : i32
        %scatter3A_669 = arith.constant 0 : i32
        %scatter3A_670 = tpu.memref_slice %arg8[%scatter3A_666, %scatter3A_667, %scatter3A_668, %scatter3A_669] : memref<2x8x8x129xf32, #tpu.memory_space<vmem>> -> memref<1x8x8x129xf32, #tpu.memory_space<vmem>>
        %scatter3A_671 = tpu.memref_squeeze %scatter3A_670 : memref<1x8x8x129xf32, #tpu.memory_space<vmem>> -> memref<8x8x129xf32, #tpu.memory_space<vmem>>
        tpu.vector_store_idx %scatter3A_671[%add3A_27, %rem3A_4, %add3A_567], %get3A_623 : memref<8x8x129xf32, #tpu.memory_space<vmem>>[vector<16xi32>, vector<16xi32>, vector<16xi32>], vector<16xf32>,
        %add3A_672 = arith.addi %add3A_567, %broadcast_in_dim3A_28 : vector<16xi32>
        scf.yield %add3A_672 : vector<16xi32>
      }
      %scan3A_428 = arith.constant 64 : i32
      %div3A_429 = arith.constant 128 : i32
      %div3A_430 = arith.divsi %add3A_162, %div3A_429 : i32
      %rem3A_431 = arith.constant 128 : i32
      %rem3A_432 = arith.remsi %add3A_162, %rem3A_431 : i32
      %dma_start3A_433 = arith.constant 0 : i32
      %dma_start3A_434 = arith.constant 0 : i32
      %dma_start3A_435 = arith.constant 0 : i32
      %dma_start3A_436 = arith.constant 0 : i32
      %dma_start3A_437 = tpu.memref_slice %arg8[%dma_start3A_433, %dma_start3A_434, %dma_start3A_435, %dma_start3A_436] : memref<2x8x8x129xf32, #tpu.memory_space<vmem>> -> memref<1x8x8x128xf32, #tpu.memory_space<vmem>>
      %dma_start3A_438 = tpu.memref_squeeze %dma_start3A_437 : memref<1x8x8x128xf32, #tpu.memory_space<vmem>> -> memref<8x8x128xf32, #tpu.memory_space<vmem>>
      %dma_start3A_439 = arith.constant 0 : i32
      %dma_start3A_440 = arith.constant 0 : i32
      %dma_start3A_441 = arith.constant 0 : i32
      %dma_start3A_442 = tpu.memref_slice %arg4[%div3A_430, %dma_start3A_439, %rem3A_432, %dma_start3A_440, %dma_start3A_441] : memref<200x8x128x8x128xf32, #tpu.memory_space<hbm>> -> memref<1x8x1x8x128xf32, #tpu.memory_space<hbm>>
      %dma_start3A_443 = tpu.memref_squeeze %dma_start3A_442 : memref<1x8x1x8x128xf32, #tpu.memory_space<hbm>> -> memref<8x8x128xf32, #tpu.memory_space<hbm>>
      %dma_start3A_444 = arith.constant 0 : i32
      %dma_start3A_445 = arith.constant 0 : i32
      %dma_start3A_446 = arith.constant 0 : i32
      %dma_start3A_447 = tpu.memref_slice %arg4[%div3A_430, %dma_start3A_444, %rem3A_432, %dma_start3A_445, %dma_start3A_446] : memref<200x8x128x8x128xf32, #tpu.memory_space<hbm>> -> memref<1x8x1x8x128xf32, #tpu.memory_space<hbm>>
      %dma_start3A_448 = tpu.memref_squeeze %dma_start3A_447 : memref<1x8x1x8x128xf32, #tpu.memory_space<hbm>> -> memref<8x8x128xf32, #tpu.memory_space<hbm>>
      %dma_start3A_449 = arith.constant 0 : i32
      %dma_start3A_450 = arith.constant 0 : i32
      %dma_start3A_451 = arith.constant 0 : i32
      %dma_start3A_452 = tpu.memref_slice %arg8[%dma_start3A_433, %dma_start3A_449, %dma_start3A_450, %dma_start3A_451] : memref<2x8x8x129xf32, #tpu.memory_space<vmem>> -> memref<1x8x8x128xf32, #tpu.memory_space<vmem>>
      %dma_start3A_453 = tpu.memref_squeeze %dma_start3A_452 : memref<1x8x8x128xf32, #tpu.memory_space<vmem>> -> memref<8x8x128xf32, #tpu.memory_space<vmem>>
      tpu.enqueue_dma source(%dma_start3A_453 : memref<8x8x128xf32, #tpu.memory_space<vmem>>) target(%dma_start3A_448 : memref<8x8x128xf32, #tpu.memory_space<hbm>>) target_semaphore(%arg11 : memref<!tpu.dma_semaphore, #tpu.memory_space<semaphore_mem>>)
    }
    %scan3A_33 = arith.constant 400 : i32
    %add3A_34 = arith.constant 800 : i32
    %add3A_35 = arith.addi %mul3A_2, %add3A_34 : i32
    %sub3A = arith.constant 1 : i32
    %sub3A_36 = arith.subi %add3A_35, %sub3A : i32
    %dma_wait3A = arith.constant 1 : i32
    %dma_wait3A_37 = arith.constant 1 : i32
    %dma_wait3A_38 = arith.constant 0 : i32
    %dma_wait3A_39 = arith.constant 0 : i32
    %dma_wait3A_40 = tpu.memref_slice %arg7[%dma_wait3A_37, %dma_wait3A_38, %dma_wait3A_39] : memref<2x128x64xf32, #tpu.memory_space<vmem>> -> memref<1x128x64xf32, #tpu.memory_space<vmem>>
    %dma_wait3A_41 = tpu.memref_squeeze %dma_wait3A_40 : memref<1x128x64xf32, #tpu.memory_space<vmem>> -> memref<128x64xf32, #tpu.memory_space<vmem>>
    %dma_wait3A_42 = arith.constant 0 : i32
    %dma_wait3A_43 = tpu.memref_slice %arg6[%dma_wait3A, %dma_wait3A_42] : memref<2x128xi32, #tpu.memory_space<vmem>> -> memref<1x128xi32, #tpu.memory_space<vmem>>
    %dma_wait3A_44 = tpu.memref_squeeze %dma_wait3A_43 : memref<1x128xi32, #tpu.memory_space<vmem>> -> memref<128xi32, #tpu.memory_space<vmem>>
    %dma_wait3A_45 = arith.constant 0 : i32
    %dma_wait3A_46 = arith.constant 0 : i32
    %dma_wait3A_47 = tpu.memref_slice %arg3[%dma_wait3A_45, %dma_wait3A_46] : memref<1000000x64xf32, #tpu.memory_space<hbm>> -> memref<1000000x64xf32, #tpu.memory_space<hbm>>
    tpu.wait_indirect_dma semaphore(%arg10 : memref<!tpu.dma_semaphore, #tpu.memory_space<semaphore_mem>>) src(%dma_wait3A_47 : memref<1000000x64xf32, #tpu.memory_space<hbm>>) dst(%dma_wait3A_41 : memref<128x64xf32, #tpu.memory_space<vmem>>)
    %sub3A_48 = arith.constant 2 : i32
    %sub3A_49 = arith.subi %sub3A_36, %sub3A_48 : i32
    %div3A_50 = arith.constant 128 : i32
    %div3A_51 = arith.divsi %sub3A_49, %div3A_50 : i32
    %rem3A_52 = arith.constant 128 : i32
    %rem3A_53 = arith.remsi %sub3A_49, %rem3A_52 : i32
    %dma_wait3A_54 = arith.constant 1 : i32
    %dma_wait3A_55 = arith.constant 0 : i32
    %dma_wait3A_56 = arith.constant 0 : i32
    %dma_wait3A_57 = arith.constant 0 : i32
    %dma_wait3A_58 = tpu.memref_slice %arg8[%dma_wait3A_54, %dma_wait3A_55, %dma_wait3A_56, %dma_wait3A_57] : memref<2x8x8x129xf32, #tpu.memory_space<vmem>> -> memref<1x8x8x128xf32, #tpu.memory_space<vmem>>
    %dma_wait3A_59 = tpu.memref_squeeze %dma_wait3A_58 : memref<1x8x8x128xf32, #tpu.memory_space<vmem>> -> memref<8x8x128xf32, #tpu.memory_space<vmem>>
    %dma_wait3A_60 = arith.constant 0 : i32
    %dma_wait3A_61 = arith.constant 0 : i32
    %dma_wait3A_62 = arith.constant 0 : i32
    %dma_wait3A_63 = tpu.memref_slice %arg4[%div3A_51, %dma_wait3A_60, %rem3A_53, %dma_wait3A_61, %dma_wait3A_62] : memref<200x8x128x8x128xf32, #tpu.memory_space<hbm>> -> memref<1x8x1x8x128xf32, #tpu.memory_space<hbm>>
    %dma_wait3A_64 = tpu.memref_squeeze %dma_wait3A_63 : memref<1x8x1x8x128xf32, #tpu.memory_space<hbm>> -> memref<8x8x128xf32, #tpu.memory_space<hbm>>
    %dma_wait3A_65 = arith.constant 0 : i32
    %dma_wait3A_66 = arith.constant 0 : i32
    %dma_wait3A_67 = arith.constant 0 : i32
    %dma_wait3A_68 = tpu.memref_slice %arg4[%div3A_51, %dma_wait3A_65, %rem3A_53, %dma_wait3A_66, %dma_wait3A_67] : memref<200x8x128x8x128xf32, #tpu.memory_space<hbm>> -> memref<1x8x1x8x128xf32, #tpu.memory_space<hbm>>
    %dma_wait3A_69 = tpu.memref_squeeze %dma_wait3A_68 : memref<1x8x1x8x128xf32, #tpu.memory_space<hbm>> -> memref<8x8x128xf32, #tpu.memory_space<hbm>>
    %dma_wait3A_70 = arith.constant 0 : i32
    %dma_wait3A_71 = arith.constant 0 : i32
    %dma_wait3A_72 = arith.constant 0 : i32
    %dma_wait3A_73 = tpu.memref_slice %arg8[%dma_wait3A_54, %dma_wait3A_70, %dma_wait3A_71, %dma_wait3A_72] : memref<2x8x8x129xf32, #tpu.memory_space<vmem>> -> memref<1x8x8x128xf32, #tpu.memory_space<vmem>>
    %dma_wait3A_74 = tpu.memref_squeeze %dma_wait3A_73 : memref<1x8x8x128xf32, #tpu.memory_space<vmem>> -> memref<8x8x128xf32, #tpu.memory_space<vmem>>
    tpu.wait_dma2 semaphore(%arg12 : memref<!tpu.dma_semaphore, #tpu.memory_space<semaphore_mem>>) src(%dma_wait3A_74 : memref<8x8x128xf32, #tpu.memory_space<vmem>>) dst(%dma_wait3A_69 : memref<8x8x128xf32, #tpu.memory_space<hbm>>)
    %broadcast_in_dim3A_75 = arith.constant 0 : i32
    %broadcast_in_dim3A_76 = vector.broadcast %broadcast_in_dim3A_75 : i32 to vector<16xi32>
    %scan3A_77 = arith.constant 0 : i32
    %scan3A_78 = arith.constant 64 : i32
    %scan3A_79 = arith.addi %scan3A_77, %scan3A_78 : i32
    %scan3A_80 = arith.constant 2 : i32
    %scan3A_81 = scf.for %scan3A_159 = %scan3A_77 to %scan3A_79 step %scan3A_80 iter_args(%scan3A_160 = %broadcast_in_dim3A_76) -> (vector<16xi32>)  : i32 {
      %mul3A_161 = arith.constant 2 : i32
      %mul3A_162 = arith.muli %mul3A_161, %scan3A_159 : i32
      %add3A_163 = arith.addi %scan3A_160, %broadcast_in_dim3A_28 : vector<16xi32>
      %add3A_164 = arith.constant 0 : i32
      %add3A_165 = arith.addi %mul3A_162, %add3A_164 : i32
      %get3A = arith.constant 1 : i32
      %get3A_166 = arith.index_cast %get3A : i32 to index
      %get3A_167 = arith.index_cast %add3A_165 : i32 to index
      %get3A_168 = arith.constant 0 : index
      %get3A_169 = tpu.vector_load %arg7[%get3A_166, %get3A_167, %get3A_168] {strides = array<i32>} : memref<2x128x64xf32, #tpu.memory_space<vmem>>, vector<16xf32>,
      %add3A_170 = arith.constant 0 : i32
      %add3A_171 = arith.addi %mul3A_162, %add3A_170 : i32
      %get3A_172 = arith.constant 1 : i32
      %get3A_173 = arith.index_cast %get3A_172 : i32 to index
      %get3A_174 = arith.index_cast %add3A_171 : i32 to index
      %get3A_175 = arith.constant 16 : index
      %get3A_176 = tpu.vector_load %arg7[%get3A_173, %get3A_174, %get3A_175] {strides = array<i32>} : memref<2x128x64xf32, #tpu.memory_space<vmem>>, vector<16xf32>,
      %add3A_177 = arith.constant 0 : i32
      %add3A_178 = arith.addi %mul3A_162, %add3A_177 : i32
      %get3A_179 = arith.constant 1 : i32
      %get3A_180 = arith.index_cast %get3A_179 : i32 to index
      %get3A_181 = arith.index_cast %add3A_178 : i32 to index
      %get3A_182 = arith.constant 32 : index
      %get3A_183 = tpu.vector_load %arg7[%get3A_180, %get3A_181, %get3A_182] {strides = array<i32>} : memref<2x128x64xf32, #tpu.memory_space<vmem>>, vector<16xf32>,
      %add3A_184 = arith.constant 0 : i32
      %add3A_185 = arith.addi %mul3A_162, %add3A_184 : i32
      %get3A_186 = arith.constant 1 : i32
      %get3A_187 = arith.index_cast %get3A_186 : i32 to index
      %get3A_188 = arith.index_cast %add3A_185 : i32 to index
      %get3A_189 = arith.constant 48 : index
      %get3A_190 = tpu.vector_load %arg7[%get3A_187, %get3A_188, %get3A_189] {strides = array<i32>} : memref<2x128x64xf32, #tpu.memory_space<vmem>>, vector<16xf32>,
      %add3A_191 = arith.constant 1 : i32
      %add3A_192 = arith.addi %mul3A_162, %add3A_191 : i32
      %get3A_193 = arith.constant 1 : i32
      %get3A_194 = arith.index_cast %get3A_193 : i32 to index
      %get3A_195 = arith.index_cast %add3A_192 : i32 to index
      %get3A_196 = arith.constant 0 : index
      %get3A_197 = tpu.vector_load %arg7[%get3A_194, %get3A_195, %get3A_196] {strides = array<i32>} : memref<2x128x64xf32, #tpu.memory_space<vmem>>, vector<16xf32>,
      %add3A_198 = arith.constant 1 : i32
      %add3A_199 = arith.addi %mul3A_162, %add3A_198 : i32
      %get3A_200 = arith.constant 1 : i32
      %get3A_201 = arith.index_cast %get3A_200 : i32 to index
      %get3A_202 = arith.index_cast %add3A_199 : i32 to index
      %get3A_203 = arith.constant 16 : index
      %get3A_204 = tpu.vector_load %arg7[%get3A_201, %get3A_202, %get3A_203] {strides = array<i32>} : memref<2x128x64xf32, #tpu.memory_space<vmem>>, vector<16xf32>,
      %add3A_205 = arith.constant 1 : i32
      %add3A_206 = arith.addi %mul3A_162, %add3A_205 : i32
      %get3A_207 = arith.constant 1 : i32
      %get3A_208 = arith.index_cast %get3A_207 : i32 to index
      %get3A_209 = arith.index_cast %add3A_206 : i32 to index
      %get3A_210 = arith.constant 32 : index
      %get3A_211 = tpu.vector_load %arg7[%get3A_208, %get3A_209, %get3A_210] {strides = array<i32>} : memref<2x128x64xf32, #tpu.memory_space<vmem>>, vector<16xf32>,
      %add3A_212 = arith.constant 1 : i32
      %add3A_213 = arith.addi %mul3A_162, %add3A_212 : i32
      %get3A_214 = arith.constant 1 : i32
      %get3A_215 = arith.index_cast %get3A_214 : i32 to index
      %get3A_216 = arith.index_cast %add3A_213 : i32 to index
      %get3A_217 = arith.constant 48 : index
      %get3A_218 = tpu.vector_load %arg7[%get3A_215, %get3A_216, %get3A_217] {strides = array<i32>} : memref<2x128x64xf32, #tpu.memory_space<vmem>>, vector<16xf32>,
      %scatter3A = arith.constant 1 : i32
      %scatter3A_219 = arith.constant 0 : i32
      %scatter3A_220 = arith.constant 0 : i32
      %scatter3A_221 = arith.constant 0 : i32
      %scatter3A_222 = tpu.memref_slice %arg8[%scatter3A, %scatter3A_219, %scatter3A_220, %scatter3A_221] : memref<2x8x8x129xf32, #tpu.memory_space<vmem>> -> memref<1x8x8x129xf32, #tpu.memory_space<vmem>>
      %scatter3A_223 = tpu.memref_squeeze %scatter3A_222 : memref<1x8x8x129xf32, #tpu.memory_space<vmem>> -> memref<8x8x129xf32, #tpu.memory_space<vmem>>
      tpu.vector_store_idx %scatter3A_223[%add3A_9, %rem3A_4, %scan3A_160], %get3A_169 : memref<8x8x129xf32, #tpu.memory_space<vmem>>[vector<16xi32>, vector<16xi32>, vector<16xi32>], vector<16xf32>,
      %scatter3A_224 = arith.constant 1 : i32
      %scatter3A_225 = arith.constant 0 : i32
      %scatter3A_226 = arith.constant 0 : i32
      %scatter3A_227 = arith.constant 0 : i32
      %scatter3A_228 = tpu.memref_slice %arg8[%scatter3A_224, %scatter3A_225, %scatter3A_226, %scatter3A_227] : memref<2x8x8x129xf32, #tpu.memory_space<vmem>> -> memref<1x8x8x129xf32, #tpu.memory_space<vmem>>
      %scatter3A_229 = tpu.memref_squeeze %scatter3A_228 : memref<1x8x8x129xf32, #tpu.memory_space<vmem>> -> memref<8x8x129xf32, #tpu.memory_space<vmem>>
      tpu.vector_store_idx %scatter3A_229[%add3A_15, %rem3A_4, %scan3A_160], %get3A_176 : memref<8x8x129xf32, #tpu.memory_space<vmem>>[vector<16xi32>, vector<16xi32>, vector<16xi32>], vector<16xf32>,
      %scatter3A_230 = arith.constant 1 : i32
      %scatter3A_231 = arith.constant 0 : i32
      %scatter3A_232 = arith.constant 0 : i32
      %scatter3A_233 = arith.constant 0 : i32
      %scatter3A_234 = tpu.memref_slice %arg8[%scatter3A_230, %scatter3A_231, %scatter3A_232, %scatter3A_233] : memref<2x8x8x129xf32, #tpu.memory_space<vmem>> -> memref<1x8x8x129xf32, #tpu.memory_space<vmem>>
      %scatter3A_235 = tpu.memref_squeeze %scatter3A_234 : memref<1x8x8x129xf32, #tpu.memory_space<vmem>> -> memref<8x8x129xf32, #tpu.memory_space<vmem>>
      tpu.vector_store_idx %scatter3A_235[%add3A_21, %rem3A_4, %scan3A_160], %get3A_183 : memref<8x8x129xf32, #tpu.memory_space<vmem>>[vector<16xi32>, vector<16xi32>, vector<16xi32>], vector<16xf32>,
      %scatter3A_236 = arith.constant 1 : i32
      %scatter3A_237 = arith.constant 0 : i32
      %scatter3A_238 = arith.constant 0 : i32
      %scatter3A_239 = arith.constant 0 : i32
      %scatter3A_240 = tpu.memref_slice %arg8[%scatter3A_236, %scatter3A_237, %scatter3A_238, %scatter3A_239] : memref<2x8x8x129xf32, #tpu.memory_space<vmem>> -> memref<1x8x8x129xf32, #tpu.memory_space<vmem>>
      %scatter3A_241 = tpu.memref_squeeze %scatter3A_240 : memref<1x8x8x129xf32, #tpu.memory_space<vmem>> -> memref<8x8x129xf32, #tpu.memory_space<vmem>>
      tpu.vector_store_idx %scatter3A_241[%add3A_27, %rem3A_4, %scan3A_160], %get3A_190 : memref<8x8x129xf32, #tpu.memory_space<vmem>>[vector<16xi32>, vector<16xi32>, vector<16xi32>], vector<16xf32>,
      %scatter3A_242 = arith.constant 1 : i32
      %scatter3A_243 = arith.constant 0 : i32
      %scatter3A_244 = arith.constant 0 : i32
      %scatter3A_245 = arith.constant 0 : i32
      %scatter3A_246 = tpu.memref_slice %arg8[%scatter3A_242, %scatter3A_243, %scatter3A_244, %scatter3A_245] : memref<2x8x8x129xf32, #tpu.memory_space<vmem>> -> memref<1x8x8x129xf32, #tpu.memory_space<vmem>>
      %scatter3A_247 = tpu.memref_squeeze %scatter3A_246 : memref<1x8x8x129xf32, #tpu.memory_space<vmem>> -> memref<8x8x129xf32, #tpu.memory_space<vmem>>
      tpu.vector_store_idx %scatter3A_247[%add3A_9, %rem3A_4, %add3A_163], %get3A_197 : memref<8x8x129xf32, #tpu.memory_space<vmem>>[vector<16xi32>, vector<16xi32>, vector<16xi32>], vector<16xf32>,
      %scatter3A_248 = arith.constant 1 : i32
      %scatter3A_249 = arith.constant 0 : i32
      %scatter3A_250 = arith.constant 0 : i32
      %scatter3A_251 = arith.constant 0 : i32
      %scatter3A_252 = tpu.memref_slice %arg8[%scatter3A_248, %scatter3A_249, %scatter3A_250, %scatter3A_251] : memref<2x8x8x129xf32, #tpu.memory_space<vmem>> -> memref<1x8x8x129xf32, #tpu.memory_space<vmem>>
      %scatter3A_253 = tpu.memref_squeeze %scatter3A_252 : memref<1x8x8x129xf32, #tpu.memory_space<vmem>> -> memref<8x8x129xf32, #tpu.memory_space<vmem>>
      tpu.vector_store_idx %scatter3A_253[%add3A_15, %rem3A_4, %add3A_163], %get3A_204 : memref<8x8x129xf32, #tpu.memory_space<vmem>>[vector<16xi32>, vector<16xi32>, vector<16xi32>], vector<16xf32>,
      %scatter3A_254 = arith.constant 1 : i32
      %scatter3A_255 = arith.constant 0 : i32
      %scatter3A_256 = arith.constant 0 : i32
      %scatter3A_257 = arith.constant 0 : i32
      %scatter3A_258 = tpu.memref_slice %arg8[%scatter3A_254, %scatter3A_255, %scatter3A_256, %scatter3A_257] : memref<2x8x8x129xf32, #tpu.memory_space<vmem>> -> memref<1x8x8x129xf32, #tpu.memory_space<vmem>>
      %scatter3A_259 = tpu.memref_squeeze %scatter3A_258 : memref<1x8x8x129xf32, #tpu.memory_space<vmem>> -> memref<8x8x129xf32, #tpu.memory_space<vmem>>
      tpu.vector_store_idx %scatter3A_259[%add3A_21, %rem3A_4, %add3A_163], %get3A_211 : memref<8x8x129xf32, #tpu.memory_space<vmem>>[vector<16xi32>, vector<16xi32>, vector<16xi32>], vector<16xf32>,
      %scatter3A_260 = arith.constant 1 : i32
      %scatter3A_261 = arith.constant 0 : i32
      %scatter3A_262 = arith.constant 0 : i32
      %scatter3A_263 = arith.constant 0 : i32
      %scatter3A_264 = tpu.memref_slice %arg8[%scatter3A_260, %scatter3A_261, %scatter3A_262, %scatter3A_263] : memref<2x8x8x129xf32, #tpu.memory_space<vmem>> -> memref<1x8x8x129xf32, #tpu.memory_space<vmem>>
      %scatter3A_265 = tpu.memref_squeeze %scatter3A_264 : memref<1x8x8x129xf32, #tpu.memory_space<vmem>> -> memref<8x8x129xf32, #tpu.memory_space<vmem>>
      tpu.vector_store_idx %scatter3A_265[%add3A_27, %rem3A_4, %add3A_163], %get3A_218 : memref<8x8x129xf32, #tpu.memory_space<vmem>>[vector<16xi32>, vector<16xi32>, vector<16xi32>], vector<16xf32>,
      %add3A_266 = arith.addi %add3A_163, %broadcast_in_dim3A_28 : vector<16xi32>
      %scan3A_267 = arith.constant 1 : i32
      %scan3A_268 = arith.addi %scan3A_159, %scan3A_267 : i32
      %mul3A_269 = arith.constant 2 : i32
      %mul3A_270 = arith.muli %mul3A_269, %scan3A_268 : i32
      %add3A_271 = arith.addi %add3A_266, %broadcast_in_dim3A_28 : vector<16xi32>
      %add3A_272 = arith.constant 0 : i32
      %add3A_273 = arith.addi %mul3A_270, %add3A_272 : i32
      %get3A_274 = arith.constant 1 : i32
      %get3A_275 = arith.index_cast %get3A_274 : i32 to index
      %get3A_276 = arith.index_cast %add3A_273 : i32 to index
      %get3A_277 = arith.constant 0 : index
      %get3A_278 = tpu.vector_load %arg7[%get3A_275, %get3A_276, %get3A_277] {strides = array<i32>} : memref<2x128x64xf32, #tpu.memory_space<vmem>>, vector<16xf32>,
      %add3A_279 = arith.constant 0 : i32
      %add3A_280 = arith.addi %mul3A_270, %add3A_279 : i32
      %get3A_281 = arith.constant 1 : i32
      %get3A_282 = arith.index_cast %get3A_281 : i32 to index
      %get3A_283 = arith.index_cast %add3A_280 : i32 to index
      %get3A_284 = arith.constant 16 : index
      %get3A_285 = tpu.vector_load %arg7[%get3A_282, %get3A_283, %get3A_284] {strides = array<i32>} : memref<2x128x64xf32, #tpu.memory_space<vmem>>, vector<16xf32>,
      %add3A_286 = arith.constant 0 : i32
      %add3A_287 = arith.addi %mul3A_270, %add3A_286 : i32
      %get3A_288 = arith.constant 1 : i32
      %get3A_289 = arith.index_cast %get3A_288 : i32 to index
      %get3A_290 = arith.index_cast %add3A_287 : i32 to index
      %get3A_291 = arith.constant 32 : index
      %get3A_292 = tpu.vector_load %arg7[%get3A_289, %get3A_290, %get3A_291] {strides = array<i32>} : memref<2x128x64xf32, #tpu.memory_space<vmem>>, vector<16xf32>,
      %add3A_293 = arith.constant 0 : i32
      %add3A_294 = arith.addi %mul3A_270, %add3A_293 : i32
      %get3A_295 = arith.constant 1 : i32
      %get3A_296 = arith.index_cast %get3A_295 : i32 to index
      %get3A_297 = arith.index_cast %add3A_294 : i32 to index
      %get3A_298 = arith.constant 48 : index
      %get3A_299 = tpu.vector_load %arg7[%get3A_296, %get3A_297, %get3A_298] {strides = array<i32>} : memref<2x128x64xf32, #tpu.memory_space<vmem>>, vector<16xf32>,
      %add3A_300 = arith.constant 1 : i32
      %add3A_301 = arith.addi %mul3A_270, %add3A_300 : i32
      %get3A_302 = arith.constant 1 : i32
      %get3A_303 = arith.index_cast %get3A_302 : i32 to index
      %get3A_304 = arith.index_cast %add3A_301 : i32 to index
      %get3A_305 = arith.constant 0 : index
      %get3A_306 = tpu.vector_load %arg7[%get3A_303, %get3A_304, %get3A_305] {strides = array<i32>} : memref<2x128x64xf32, #tpu.memory_space<vmem>>, vector<16xf32>,
      %add3A_307 = arith.constant 1 : i32
      %add3A_308 = arith.addi %mul3A_270, %add3A_307 : i32
      %get3A_309 = arith.constant 1 : i32
      %get3A_310 = arith.index_cast %get3A_309 : i32 to index
      %get3A_311 = arith.index_cast %add3A_308 : i32 to index
      %get3A_312 = arith.constant 16 : index
      %get3A_313 = tpu.vector_load %arg7[%get3A_310, %get3A_311, %get3A_312] {strides = array<i32>} : memref<2x128x64xf32, #tpu.memory_space<vmem>>, vector<16xf32>,
      %add3A_314 = arith.constant 1 : i32
      %add3A_315 = arith.addi %mul3A_270, %add3A_314 : i32
      %get3A_316 = arith.constant 1 : i32
      %get3A_317 = arith.index_cast %get3A_316 : i32 to index
      %get3A_318 = arith.index_cast %add3A_315 : i32 to index
      %get3A_319 = arith.constant 32 : index
      %get3A_320 = tpu.vector_load %arg7[%get3A_317, %get3A_318, %get3A_319] {strides = array<i32>} : memref<2x128x64xf32, #tpu.memory_space<vmem>>, vector<16xf32>,
      %add3A_321 = arith.constant 1 : i32
      %add3A_322 = arith.addi %mul3A_270, %add3A_321 : i32
      %get3A_323 = arith.constant 1 : i32
      %get3A_324 = arith.index_cast %get3A_323 : i32 to index
      %get3A_325 = arith.index_cast %add3A_322 : i32 to index
      %get3A_326 = arith.constant 48 : index
      %get3A_327 = tpu.vector_load %arg7[%get3A_324, %get3A_325, %get3A_326] {strides = array<i32>} : memref<2x128x64xf32, #tpu.memory_space<vmem>>, vector<16xf32>,
      %scatter3A_328 = arith.constant 1 : i32
      %scatter3A_329 = arith.constant 0 : i32
      %scatter3A_330 = arith.constant 0 : i32
      %scatter3A_331 = arith.constant 0 : i32
      %scatter3A_332 = tpu.memref_slice %arg8[%scatter3A_328, %scatter3A_329, %scatter3A_330, %scatter3A_331] : memref<2x8x8x129xf32, #tpu.memory_space<vmem>> -> memref<1x8x8x129xf32, #tpu.memory_space<vmem>>
      %scatter3A_333 = tpu.memref_squeeze %scatter3A_332 : memref<1x8x8x129xf32, #tpu.memory_space<vmem>> -> memref<8x8x129xf32, #tpu.memory_space<vmem>>
      tpu.vector_store_idx %scatter3A_333[%add3A_9, %rem3A_4, %add3A_266], %get3A_278 : memref<8x8x129xf32, #tpu.memory_space<vmem>>[vector<16xi32>, vector<16xi32>, vector<16xi32>], vector<16xf32>,
      %scatter3A_334 = arith.constant 1 : i32
      %scatter3A_335 = arith.constant 0 : i32
      %scatter3A_336 = arith.constant 0 : i32
      %scatter3A_337 = arith.constant 0 : i32
      %scatter3A_338 = tpu.memref_slice %arg8[%scatter3A_334, %scatter3A_335, %scatter3A_336, %scatter3A_337] : memref<2x8x8x129xf32, #tpu.memory_space<vmem>> -> memref<1x8x8x129xf32, #tpu.memory_space<vmem>>
      %scatter3A_339 = tpu.memref_squeeze %scatter3A_338 : memref<1x8x8x129xf32, #tpu.memory_space<vmem>> -> memref<8x8x129xf32, #tpu.memory_space<vmem>>
      tpu.vector_store_idx %scatter3A_339[%add3A_15, %rem3A_4, %add3A_266], %get3A_285 : memref<8x8x129xf32, #tpu.memory_space<vmem>>[vector<16xi32>, vector<16xi32>, vector<16xi32>], vector<16xf32>,
      %scatter3A_340 = arith.constant 1 : i32
      %scatter3A_341 = arith.constant 0 : i32
      %scatter3A_342 = arith.constant 0 : i32
      %scatter3A_343 = arith.constant 0 : i32
      %scatter3A_344 = tpu.memref_slice %arg8[%scatter3A_340, %scatter3A_341, %scatter3A_342, %scatter3A_343] : memref<2x8x8x129xf32, #tpu.memory_space<vmem>> -> memref<1x8x8x129xf32, #tpu.memory_space<vmem>>
      %scatter3A_345 = tpu.memref_squeeze %scatter3A_344 : memref<1x8x8x129xf32, #tpu.memory_space<vmem>> -> memref<8x8x129xf32, #tpu.memory_space<vmem>>
      tpu.vector_store_idx %scatter3A_345[%add3A_21, %rem3A_4, %add3A_266], %get3A_292 : memref<8x8x129xf32, #tpu.memory_space<vmem>>[vector<16xi32>, vector<16xi32>, vector<16xi32>], vector<16xf32>,
      %scatter3A_346 = arith.constant 1 : i32
      %scatter3A_347 = arith.constant 0 : i32
      %scatter3A_348 = arith.constant 0 : i32
      %scatter3A_349 = arith.constant 0 : i32
      %scatter3A_350 = tpu.memref_slice %arg8[%scatter3A_346, %scatter3A_347, %scatter3A_348, %scatter3A_349] : memref<2x8x8x129xf32, #tpu.memory_space<vmem>> -> memref<1x8x8x129xf32, #tpu.memory_space<vmem>>
      %scatter3A_351 = tpu.memref_squeeze %scatter3A_350 : memref<1x8x8x129xf32, #tpu.memory_space<vmem>> -> memref<8x8x129xf32, #tpu.memory_space<vmem>>
      tpu.vector_store_idx %scatter3A_351[%add3A_27, %rem3A_4, %add3A_266], %get3A_299 : memref<8x8x129xf32, #tpu.memory_space<vmem>>[vector<16xi32>, vector<16xi32>, vector<16xi32>], vector<16xf32>,
      %scatter3A_352 = arith.constant 1 : i32
      %scatter3A_353 = arith.constant 0 : i32
      %scatter3A_354 = arith.constant 0 : i32
      %scatter3A_355 = arith.constant 0 : i32
      %scatter3A_356 = tpu.memref_slice %arg8[%scatter3A_352, %scatter3A_353, %scatter3A_354, %scatter3A_355] : memref<2x8x8x129xf32, #tpu.memory_space<vmem>> -> memref<1x8x8x129xf32, #tpu.memory_space<vmem>>
      %scatter3A_357 = tpu.memref_squeeze %scatter3A_356 : memref<1x8x8x129xf32, #tpu.memory_space<vmem>> -> memref<8x8x129xf32, #tpu.memory_space<vmem>>
      tpu.vector_store_idx %scatter3A_357[%add3A_9, %rem3A_4, %add3A_271], %get3A_306 : memref<8x8x129xf32, #tpu.memory_space<vmem>>[vector<16xi32>, vector<16xi32>, vector<16xi32>], vector<16xf32>,
      %scatter3A_358 = arith.constant 1 : i32
      %scatter3A_359 = arith.constant 0 : i32
      %scatter3A_360 = arith.constant 0 : i32
      %scatter3A_361 = arith.constant 0 : i32
      %scatter3A_362 = tpu.memref_slice %arg8[%scatter3A_358, %scatter3A_359, %scatter3A_360, %scatter3A_361] : memref<2x8x8x129xf32, #tpu.memory_space<vmem>> -> memref<1x8x8x129xf32, #tpu.memory_space<vmem>>
      %scatter3A_363 = tpu.memref_squeeze %scatter3A_362 : memref<1x8x8x129xf32, #tpu.memory_space<vmem>> -> memref<8x8x129xf32, #tpu.memory_space<vmem>>
      tpu.vector_store_idx %scatter3A_363[%add3A_15, %rem3A_4, %add3A_271], %get3A_313 : memref<8x8x129xf32, #tpu.memory_space<vmem>>[vector<16xi32>, vector<16xi32>, vector<16xi32>], vector<16xf32>,
      %scatter3A_364 = arith.constant 1 : i32
      %scatter3A_365 = arith.constant 0 : i32
      %scatter3A_366 = arith.constant 0 : i32
      %scatter3A_367 = arith.constant 0 : i32
      %scatter3A_368 = tpu.memref_slice %arg8[%scatter3A_364, %scatter3A_365, %scatter3A_366, %scatter3A_367] : memref<2x8x8x129xf32, #tpu.memory_space<vmem>> -> memref<1x8x8x129xf32, #tpu.memory_space<vmem>>
      %scatter3A_369 = tpu.memref_squeeze %scatter3A_368 : memref<1x8x8x129xf32, #tpu.memory_space<vmem>> -> memref<8x8x129xf32, #tpu.memory_space<vmem>>
      tpu.vector_store_idx %scatter3A_369[%add3A_21, %rem3A_4, %add3A_271], %get3A_320 : memref<8x8x129xf32, #tpu.memory_space<vmem>>[vector<16xi32>, vector<16xi32>, vector<16xi32>], vector<16xf32>,
      %scatter3A_370 = arith.constant 1 : i32
      %scatter3A_371 = arith.constant 0 : i32
      %scatter3A_372 = arith.constant 0 : i32
      %scatter3A_373 = arith.constant 0 : i32
      %scatter3A_374 = tpu.memref_slice %arg8[%scatter3A_370, %scatter3A_371, %scatter3A_372, %scatter3A_373] : memref<2x8x8x129xf32, #tpu.memory_space<vmem>> -> memref<1x8x8x129xf32, #tpu.memory_space<vmem>>
      %scatter3A_375 = tpu.memref_squeeze %scatter3A_374 : memref<1x8x8x129xf32, #tpu.memory_space<vmem>> -> memref<8x8x129xf32, #tpu.memory_space<vmem>>
      tpu.vector_store_idx %scatter3A_375[%add3A_27, %rem3A_4, %add3A_271], %get3A_327 : memref<8x8x129xf32, #tpu.memory_space<vmem>>[vector<16xi32>, vector<16xi32>, vector<16xi32>], vector<16xf32>,
      %add3A_376 = arith.addi %add3A_271, %broadcast_in_dim3A_28 : vector<16xi32>
      scf.yield %add3A_376 : vector<16xi32>
    }
    %scan3A_82 = arith.constant 64 : i32
    %div3A_83 = arith.constant 128 : i32
    %div3A_84 = arith.divsi %sub3A_36, %div3A_83 : i32
    %rem3A_85 = arith.constant 128 : i32
    %rem3A_86 = arith.remsi %sub3A_36, %rem3A_85 : i32
    %dma_start3A = arith.constant 1 : i32
    %dma_start3A_87 = arith.constant 0 : i32
    %dma_start3A_88 = arith.constant 0 : i32
    %dma_start3A_89 = arith.constant 0 : i32
    %dma_start3A_90 = tpu.memref_slice %arg8[%dma_start3A, %dma_start3A_87, %dma_start3A_88, %dma_start3A_89] : memref<2x8x8x129xf32, #tpu.memory_space<vmem>> -> memref<1x8x8x128xf32, #tpu.memory_space<vmem>>
    %dma_start3A_91 = tpu.memref_squeeze %dma_start3A_90 : memref<1x8x8x128xf32, #tpu.memory_space<vmem>> -> memref<8x8x128xf32, #tpu.memory_space<vmem>>
    %dma_start3A_92 = arith.constant 0 : i32
    %dma_start3A_93 = arith.constant 0 : i32
    %dma_start3A_94 = arith.constant 0 : i32
    %dma_start3A_95 = tpu.memref_slice %arg4[%div3A_84, %dma_start3A_92, %rem3A_86, %dma_start3A_93, %dma_start3A_94] : memref<200x8x128x8x128xf32, #tpu.memory_space<hbm>> -> memref<1x8x1x8x128xf32, #tpu.memory_space<hbm>>
    %dma_start3A_96 = tpu.memref_squeeze %dma_start3A_95 : memref<1x8x1x8x128xf32, #tpu.memory_space<hbm>> -> memref<8x8x128xf32, #tpu.memory_space<hbm>>
    %dma_start3A_97 = arith.constant 0 : i32
    %dma_start3A_98 = arith.constant 0 : i32
    %dma_start3A_99 = arith.constant 0 : i32
    %dma_start3A_100 = tpu.memref_slice %arg4[%div3A_84, %dma_start3A_97, %rem3A_86, %dma_start3A_98, %dma_start3A_99] : memref<200x8x128x8x128xf32, #tpu.memory_space<hbm>> -> memref<1x8x1x8x128xf32, #tpu.memory_space<hbm>>
    %dma_start3A_101 = tpu.memref_squeeze %dma_start3A_100 : memref<1x8x1x8x128xf32, #tpu.memory_space<hbm>> -> memref<8x8x128xf32, #tpu.memory_space<hbm>>
    %dma_start3A_102 = arith.constant 0 : i32
    %dma_start3A_103 = arith.constant 0 : i32
    %dma_start3A_104 = arith.constant 0 : i32
    %dma_start3A_105 = tpu.memref_slice %arg8[%dma_start3A, %dma_start3A_102, %dma_start3A_103, %dma_start3A_104] : memref<2x8x8x129xf32, #tpu.memory_space<vmem>> -> memref<1x8x8x128xf32, #tpu.memory_space<vmem>>
    %dma_start3A_106 = tpu.memref_squeeze %dma_start3A_105 : memref<1x8x8x128xf32, #tpu.memory_space<vmem>> -> memref<8x8x128xf32, #tpu.memory_space<vmem>>
    tpu.enqueue_dma source(%dma_start3A_106 : memref<8x8x128xf32, #tpu.memory_space<vmem>>) target(%dma_start3A_101 : memref<8x8x128xf32, #tpu.memory_space<hbm>>) target_semaphore(%arg12 : memref<!tpu.dma_semaphore, #tpu.memory_space<semaphore_mem>>)
    %sub3A_107 = arith.constant 1 : i32
    %sub3A_108 = arith.subi %sub3A_36, %sub3A_107 : i32
    %div3A_109 = arith.constant 128 : i32
    %div3A_110 = arith.divsi %sub3A_108, %div3A_109 : i32
    %rem3A_111 = arith.constant 128 : i32
    %rem3A_112 = arith.remsi %sub3A_108, %rem3A_111 : i32
    %dma_wait3A_113 = arith.constant 0 : i32
    %dma_wait3A_114 = arith.constant 0 : i32
    %dma_wait3A_115 = arith.constant 0 : i32
    %dma_wait3A_116 = arith.constant 0 : i32
    %dma_wait3A_117 = tpu.memref_slice %arg8[%dma_wait3A_113, %dma_wait3A_114, %dma_wait3A_115, %dma_wait3A_116] : memref<2x8x8x129xf32, #tpu.memory_space<vmem>> -> memref<1x8x8x128xf32, #tpu.memory_space<vmem>>
    %dma_wait3A_118 = tpu.memref_squeeze %dma_wait3A_117 : memref<1x8x8x128xf32, #tpu.memory_space<vmem>> -> memref<8x8x128xf32, #tpu.memory_space<vmem>>
    %dma_wait3A_119 = arith.constant 0 : i32
    %dma_wait3A_120 = arith.constant 0 : i32
    %dma_wait3A_121 = arith.constant 0 : i32
    %dma_wait3A_122 = tpu.memref_slice %arg4[%div3A_110, %dma_wait3A_119, %rem3A_112, %dma_wait3A_120, %dma_wait3A_121] : memref<200x8x128x8x128xf32, #tpu.memory_space<hbm>> -> memref<1x8x1x8x128xf32, #tpu.memory_space<hbm>>
    %dma_wait3A_123 = tpu.memref_squeeze %dma_wait3A_122 : memref<1x8x1x8x128xf32, #tpu.memory_space<hbm>> -> memref<8x8x128xf32, #tpu.memory_space<hbm>>
    %dma_wait3A_124 = arith.constant 0 : i32
    %dma_wait3A_125 = arith.constant 0 : i32
    %dma_wait3A_126 = arith.constant 0 : i32
    %dma_wait3A_127 = tpu.memref_slice %arg4[%div3A_110, %dma_wait3A_124, %rem3A_112, %dma_wait3A_125, %dma_wait3A_126] : memref<200x8x128x8x128xf32, #tpu.memory_space<hbm>> -> memref<1x8x1x8x128xf32, #tpu.memory_space<hbm>>
    %dma_wait3A_128 = tpu.memref_squeeze %dma_wait3A_127 : memref<1x8x1x8x128xf32, #tpu.memory_space<hbm>> -> memref<8x8x128xf32, #tpu.memory_space<hbm>>
    %dma_wait3A_129 = arith.constant 0 : i32
    %dma_wait3A_130 = arith.constant 0 : i32
    %dma_wait3A_131 = arith.constant 0 : i32
    %dma_wait3A_132 = tpu.memref_slice %arg8[%dma_wait3A_113, %dma_wait3A_129, %dma_wait3A_130, %dma_wait3A_131] : memref<2x8x8x129xf32, #tpu.memory_space<vmem>> -> memref<1x8x8x128xf32, #tpu.memory_space<vmem>>
    %dma_wait3A_133 = tpu.memref_squeeze %dma_wait3A_132 : memref<1x8x8x128xf32, #tpu.memory_space<vmem>> -> memref<8x8x128xf32, #tpu.memory_space<vmem>>
    tpu.wait_dma2 semaphore(%arg11 : memref<!tpu.dma_semaphore, #tpu.memory_space<semaphore_mem>>) src(%dma_wait3A_133 : memref<8x8x128xf32, #tpu.memory_space<vmem>>) dst(%dma_wait3A_128 : memref<8x8x128xf32, #tpu.memory_space<hbm>>)
    %div3A_134 = arith.constant 128 : i32
    %div3A_135 = arith.divsi %sub3A_36, %div3A_134 : i32
    %rem3A_136 = arith.constant 128 : i32
    %rem3A_137 = arith.remsi %sub3A_36, %rem3A_136 : i32
    %dma_wait3A_138 = arith.constant 1 : i32
    %dma_wait3A_139 = arith.constant 0 : i32
    %dma_wait3A_140 = arith.constant 0 : i32
    %dma_wait3A_141 = arith.constant 0 : i32
    %dma_wait3A_142 = tpu.memref_slice %arg8[%dma_wait3A_138, %dma_wait3A_139, %dma_wait3A_140, %dma_wait3A_141] : memref<2x8x8x129xf32, #tpu.memory_space<vmem>> -> memref<1x8x8x128xf32, #tpu.memory_space<vmem>>
    %dma_wait3A_143 = tpu.memref_squeeze %dma_wait3A_142 : memref<1x8x8x128xf32, #tpu.memory_space<vmem>> -> memref<8x8x128xf32, #tpu.memory_space<vmem>>
    %dma_wait3A_144 = arith.constant 0 : i32
    %dma_wait3A_145 = arith.constant 0 : i32
    %dma_wait3A_146 = arith.constant 0 : i32
    %dma_wait3A_147 = tpu.memref_slice %arg4[%div3A_135, %dma_wait3A_144, %rem3A_137, %dma_wait3A_145, %dma_wait3A_146] : memref<200x8x128x8x128xf32, #tpu.memory_space<hbm>> -> memref<1x8x1x8x128xf32, #tpu.memory_space<hbm>>
    %dma_wait3A_148 = tpu.memref_squeeze %dma_wait3A_147 : memref<1x8x1x8x128xf32, #tpu.memory_space<hbm>> -> memref<8x8x128xf32, #tpu.memory_space<hbm>>
    %dma_wait3A_149 = arith.constant 0 : i32
    %dma_wait3A_150 = arith.constant 0 : i32
    %dma_wait3A_151 = arith.constant 0 : i32
    %dma_wait3A_152 = tpu.memref_slice %arg4[%div3A_135, %dma_wait3A_149, %rem3A_137, %dma_wait3A_150, %dma_wait3A_151] : memref<200x8x128x8x128xf32, #tpu.memory_space<hbm>> -> memref<1x8x1x8x128xf32, #tpu.memory_space<hbm>>
    %dma_wait3A_153 = tpu.memref_squeeze %dma_wait3A_152 : memref<1x8x1x8x128xf32, #tpu.memory_space<hbm>> -> memref<8x8x128xf32, #tpu.memory_space<hbm>>
    %dma_wait3A_154 = arith.constant 0 : i32
    %dma_wait3A_155 = arith.constant 0 : i32
    %dma_wait3A_156 = arith.constant 0 : i32
    %dma_wait3A_157 = tpu.memref_slice %arg8[%dma_wait3A_138, %dma_wait3A_154, %dma_wait3A_155, %dma_wait3A_156] : memref<2x8x8x129xf32, #tpu.memory_space<vmem>> -> memref<1x8x8x128xf32, #tpu.memory_space<vmem>>
    %dma_wait3A_158 = tpu.memref_squeeze %dma_wait3A_157 : memref<1x8x8x128xf32, #tpu.memory_space<vmem>> -> memref<8x8x128xf32, #tpu.memory_space<vmem>>
    tpu.wait_dma2 semaphore(%arg12 : memref<!tpu.dma_semaphore, #tpu.memory_space<semaphore_mem>>) src(%dma_wait3A_158 : memref<8x8x128xf32, #tpu.memory_space<vmem>>) dst(%dma_wait3A_153 : memref<8x8x128xf32, #tpu.memory_space<hbm>>)
    return
  }
}

</mosaic_0001>

<sc_bundles>
// kernel: kernel.3.cloned.1.call-start
scs
__scs_entry_jumppad:
0x0: {  	(pc) =	sbr.rel $0x88, $3  }
0x1: {  	(tag) =	ssettag $0x0;
	lr =	simm.s32 $0x1  }
0x2: {  	[smem:$0x3F9F] =	sst lr;
	_ =	strace $0xD0000000  }
0x3: {  	_ = 	snop  }
0x4: {  	_ = 	snop  }
0x5: {  	_ = 	snop  }
0x6: {  	_ = 	snop  }
0x7: {  	_ = 	snop  }
__scs_overlays_trampoline_lowered:
0x8: {  	[smem:$0x3FAE] =	sst s0  }
0x9: {  	[smem:$0x3FAF] =	sst s1  }
0xa: {  	[smem:$0x3FB0] =	sst s2  }
0xb: {  	[smem:$0x3FB1] =	sst s3  }
0xc: {  	[smem:$0x3FB2] =	sst s4  }
0xd: {  	[smem:$0x3FB3] =	sst s5  }
0xe: {  	[smem:$0x3FB4] =	sst s6  }
0xf: {  	[smem:$0x3FB5] =	sst s7  }
0x10: {  	[smem:$0x3FB6] =	sst s8  }
0x11: {  	[smem:$0x3FB7] =	sst s9;
	s0 =	simm.s32 @!p0 $0x0  }
0x12: {  	s1 =	sld [smem:$0x3F9D];
	s0 =	simm.s32 @p0 $0x1  }
0x13: {  	[smem:$0x3FB8] =	sst s0;
	s0 =	simm.s32 @!p1 $0x0  }
0x14: {  	s2 =	sld [smem:$0x3F9C];
	s0 =	simm.s32 @p1 $0x1  }
0x15: {  	[smem:$0x3FB9] =	sst s0;
	s0 =	simm.s32 @!p2 $0x0  }
0x16: {  	s3 =	sld [smem:$0x3FDB];
	s0 =	simm.s32 @p2 $0x1  }
0x17: {  	s4 =	simm.s32 $0x1BF5;
	[smem:$0x3FBB] =	sst s0  }
0x18: {  	s0 =	sld [smem:$0x3F9E];
	_ =	swait.ge [sflag:s4], $0x0  }
0x19: {  	s7 =	sld [smem:$0x3F9F]  }
0x1a: {  	s8 =	sadd.s32 $0xFFFFE003, lr  }
0x1b: {  	s9 =	sadd.s32 $0xFFFFFEF7, lr;
	s5 =	simm.s32 $0xFFFFFFFF;
	p2 =	slt.u32 s8, $0xFFFFF086  }
0x1c: {  	p1 =	slt.u32 s9, $0xF7A;
	s5 =	simm.s32 @!p2 $0x0  }
0x1d: {  	s5 =	simm.s32 @p1 $0x1;
	p0 =	seq.s32 s7, s2  }
0x1e: {  	s7 =	smul.u32 @!p0 $0xF7A, s2;
	p2 =	seq.s32 @!p0 s5, $0x0  }
0x1f: {  	s9 =	smul.u32 $0xF7A, s1;
	s8 =	simm.s32 @!p0 $0x1BF5;
	p2 =	por !p2, p0  }
0x20: {  	[sflag:s8] =	ssyncset.s32 @!p0 $0xFFFFF086;
	s6 =	sadd.s32 @!p0 s3, s7;
	s7 =	simm.s32 @!p0 $0x108  }
0x21: {  	s3 =	sadd.s32 s3, s9;
	s6 =	sadd.s32 @!p0 $0x88, s6;
	s7 =	simm.s32 @p2 $0x1082  }
0x22: {  	[simem:s7], [sflag:s8] =	dma.local @!p0 [hbm:s6], $0xF7A  }
0x23: {  	s9 =	sor.u32 $0xD0000000, s2;
	s6 =	simm.s32 $0x108;
	_ =	swait.ge @!p0 [sflag:s8], $0x0  }
0x24: {  	s3 =	sadd.s32 $0x88, s3;
	s6 =	simm.s32 @!p1 $0x1082;
	[sflag:s4] =	ssyncset.s32 $0xFFFFF086  }
0x25: {  	[simem:s6], [sflag:s4] =	dma.local [hbm:s3], $0xF7A  }
0x26: {  	[smem:$0x3F9F] =	sst s1;
	(tag) =	ssettag s2;
	_ =	strace s9  }
0x27: {  	s1 =	sld [smem:$0x3FAF]  }
0x28: {  	s2 =	sld [smem:$0x3FB0]  }
0x29: {  	s4 =	sld [smem:$0x3FB2]  }
0x2a: {  	p0 =	seq.s32 s5, $0x0;
	s5 =	sld [smem:$0x3FB3]  }
0x2b: {  	s6 =	sld [smem:$0x3FB4]  }
0x2c: {  	s7 =	sld [smem:$0x3FB5]  }
0x2d: {  	s3 =	simm.s32 $0x108;
	s8 =	sld [smem:$0x3FB6]  }
0x2e: {  	s3 =	simm.s32 @!p0 $0x1082;
	s9 =	sld [smem:$0x3FB7]  }
0x2f: {  	lr =	sadd.s32 s0, s3;
	s0 =	sld [smem:$0x3FAE]  }
0x30: {  	s3 =	sld [smem:$0x3FB1]  }
0x31: {  	[smem:$0x3FBA] =	sst s10  }
0x32: {  	s10 =	sld [smem:$0x3FB8];
	_ =	sdelay $0x3  }
0x33: {  	p0 =	seq.s32 s10, $0x1;
	s10 =	sld [smem:$0x3FBA];
	_ =	sdelay $0x3  }
0x34: {  	[smem:$0x3FBA] =	sst s10  }
0x35: {  	s10 =	sld [smem:$0x3FB9];
	_ =	sdelay $0x3  }
0x36: {  	p1 =	seq.s32 s10, $0x1;
	s10 =	sld [smem:$0x3FBA];
	_ =	sdelay $0x3  }
0x37: {  	[smem:$0x3FBA] =	sst s10  }
0x38: {  	s10 =	sld [smem:$0x3FBB]  }
0x39: {  	_ = 	snop;
	(pc) =	sbr.ind lr, $3  }
0x3a: {  	_ = 	snop  }
0x3b: {  	_ = 	snop  }
0x3c: {  	p2 =	seq.s32 s10, $0x1;
	s10 =	sld [smem:$0x3FBA]  }
0x3d: {  	_ =	shalt  }
0x3e: {  	_ =	shalt  }
0x3f: {  	_ =	shalt  }
0x40: {  	_ =	shalt  }
0x41: {  	_ =	shalt  }
0x42: {  	_ =	shalt  }
0x43: {  	_ =	shalt  }
0x44: {  	_ =	shalt  }
0x45: {  	_ =	shalt  }
0x46: {  	_ =	shalt  }
0x47: {  	_ =	shalt  }
0x48: {  	_ =	shalt  }
0x49: {  	_ =	shalt  }
0x4a: {  	_ =	shalt  }
0x4b: {  	_ =	shalt  }
0x4c: {  	_ =	shalt  }
0x4d: {  	_ =	shalt  }
0x4e: {  	_ =	shalt  }
0x4f: {  	_ =	shalt  }
0x50: {  	_ =	shalt  }
0x51: {  	_ =	shalt  }
0x52: {  	_ =	shalt  }
0x53: {  	_ =	shalt  }
0x54: {  	_ =	shalt  }
0x55: {  	_ =	shalt  }
0x56: {  	_ =	shalt  }
0x57: {  	_ =	shalt  }
0x58: {  	_ =	shalt  }
0x59: {  	_ =	shalt  }
0x5a: {  	_ =	shalt  }
0x5b: {  	_ =	shalt  }
0x5c: {  	_ =	shalt  }
0x5d: {  	_ =	shalt  }
0x5e: {  	_ =	shalt  }
0x5f: {  	_ =	shalt  }
0x60: {  	_ =	shalt  }
0x61: {  	_ =	shalt  }
0x62: {  	_ =	shalt  }
0x63: {  	_ =	shalt  }
0x64: {  	_ =	shalt  }
0x65: {  	_ =	shalt  }
0x66: {  	_ =	shalt  }
0x67: {  	_ =	shalt  }
0x68: {  	_ =	shalt  }
0x69: {  	_ =	shalt  }
0x6a: {  	_ =	shalt  }
0x6b: {  	_ =	shalt  }
0x6c: {  	_ =	shalt  }
0x6d: {  	_ =	shalt  }
0x6e: {  	_ =	shalt  }
0x6f: {  	_ =	shalt  }
0x70: {  	_ =	shalt  }
0x71: {  	_ =	shalt  }
0x72: {  	_ =	shalt  }
0x73: {  	_ =	shalt  }
0x74: {  	_ =	shalt  }
0x75: {  	_ =	shalt  }
0x76: {  	_ =	shalt  }
0x77: {  	_ =	shalt  }
0x78: {  	_ =	shalt  }
0x79: {  	_ =	shalt  }
0x7a: {  	_ =	shalt  }
0x7b: {  	_ =	shalt  }
0x7c: {  	_ =	shalt  }
0x7d: {  	_ =	shalt  }
0x7e: {  	_ =	shalt  }
0x7f: {  	_ =	shalt  }
0x80: {  	_ =	shalt  }
0x81: {  	_ =	shalt  }
0x82: {  	_ =	shalt  }
0x83: {  	_ =	shalt  }
0x84: {  	_ =	shalt  }
0x85: {  	_ =	shalt  }
0x86: {  	_ =	shalt  }
0x87: {  	_ =	shalt  }
.Lfunc_end0:
.L_simem_size_0:
called_computation_lowered:
.L_overlay_start_0:
0x88: {  	s2 =	sld [smem:$0x3FD9]  }
0x89: {  	s3 =	sld [smem:$0x3FFE];
	_ =	sdelay $0x1  }
0x8a: {  	s1 =	srdreg.scid  }
0x8b: {  	s0 =	sand.u32 $0x1, s1  }
0x8c: {  	s17 =	sshll.u32 s0, $0xA;
	s2 =	sadd.s32 s3, s2  }
0x8d: {  	s2 =	sadd.s32 s2, s17  }
0x8e: {  	[smem:$0x3FC6] =	sst s2  }
0x8f: {  	_ = 	snop  }
0x90: {  	s2 =	sld [smem:$0x3FC9]  }
0x91: {  	s18 =	sld [smem:$0x3FD0];
	(tm) =	ssettm $0x1  }
0x92: {  	s4 =	sld [smem:$0x3FFB];
	_ =	sdelay $0x3  }
0x93: {  	_ =	strace s4  }
0x94: {  	s4 =	sld [smem:$0x3FFC];
	_ =	sdelay $0x3  }
0x95: {  	_ =	strace s4  }
0x96: {  	s4 =	sld [smem:$0x3FFD];
	_ =	sdelay $0x3  }
0x97: {  	_ =	strace s4  }
0x98: {  	_ =	strace $0x8FFFFFFF  }
0x99: {  	s19 =	sld [smem:$0x3FDB];
	_ =	sdelay $0x1  }
0x9a: {  	s5 =	simm.s32 $_scs_section_size  }
0x9b: {  	s6 =	simm.s32 $_size__tile_overlayer_lowered;
	s7 =	simm.s32 $_tile_overlayer_lowered  }
0x9c: {  	s22 =	simm.s32 $0x1BFF;
	s21 =	sshll.u32 s7, $0x1;
	s4 =	sadd.s32 s5, s19  }
0x9d: {  	s8 =	simm.s32 $0x0;
	s20 =	sshll.u32 s6, $0x1;
	s6 =	sadd.s32 s21, s4  }
0x9e: {  	[timem:s8], [sflag:s22] =	dma.local [hbm:s6], s20  }
0x9f: {  	_ =	swait.ge [sflag:s22], s20  }
0xa0: {  	s5 =	ssub.s32 $0x0, s20;
	[sflag:s22] =	ssyncset.done $0x0  }
0xa1: {  	[sflag:s22] =	ssyncadd.s32 s5;
	_ =	sdelay $0x1  }
0xa2: {  	s23 =	simm.s32 $0x1B8B  }
0xa3: {  	_ =	swait.ge [sflag:s23], $0x1  }
0xa4: {  	[sflag:s23] =	ssyncset.done $0x0  }
0xa5: {  	s25 =	simm.s32 $0x1B8E;
	s24 =	sld [smem:$0x3FFE];
	[sflag:s23] =	ssyncadd.s32 $0xFFFFFFFF  }
0xa6: {  	s26 =	simm.s32 $execute0_lowered;
	[smem:$0x3FD2] =	sst s25  }
0xa7: {  	s6 =	sshll.u32 s26, $0x1;
	_ =	strace $0x80000046;
	[dreg:$0x1] =	wrdreg $0xFFFFFFFF  }
0xa8: {  	s28 =	simm.s32 $_size_execute0_lowered;
	s4 =	sadd.s32 s4, s6;
	[dreg:$0x0] =	wrdreg $0x0  }
0xa9: {  	s6 =	sshll.u32 s28, $0x1;
	[dreg:$0x2] =	wrdreg s4  }
0xaa: {  	[dreg:$0x3] =	wrdreg s6  }
0xab: {  	[dreg:$0x4] =	wrdreg $0xC0  }
0xac: {  	_ =	task [dreg:s8], $0x5FFFF  }
0xad: {  	[dreg:$0x1] =	wrdreg $0xFFFFFFFF  }
0xae: {  	[dreg:$0x0] =	wrdreg $0x60  }
0xaf: {  	[dreg:$0x2] =	wrdreg s2  }
0xb0: {  	[dreg:$0x3] =	wrdreg s24  }
0xb1: {  	[dreg:$0x4] =	wrdreg s18  }
0xb2: {  	[dreg:$0x5] =	wrdreg $0x9  }
0xb3: {  	_ =	task.clear_ibuf [dreg:s8], $0x6FFFF;
	_ =	strace $0x90000046  }
0xb4: {  	s29 =	simm.s32 $0x9;
	_ =	strace $0x80000048  }
0xb5: {  	_ =	swait.ge [sflag:s29], $0x1  }
0xb6: {  	[sflag:s29] =	ssyncadd.s32 $0xFFFFFFFF  }
0xb7: {  	_ =	strace $0x90000048  }
0xb8: {  	_ =	sfence  }
0xb9: {  	s30 =	sld [smem:$0x0];
	_ =	sdelay $0x2  }
0xba: {  	s31 =	sshll.u32 s1, $0xD;
	s1 =	sshrl.u32 s1, $0x2  }
0xbb: {  	s3 =	sand.u32 $0x4000, s31;
	s1 =	sadd.s32 s1, s30  }
0xbc: {  	s0 =	sor.u32 s3, s0;
	s1 =	sshll.u32 s1, $0x11  }
0xbd: {  	s0 =	sor.u32 s1, s0  }
0xbe: {  	s0 =	sadd.s32 $0x8F2B, s0  }
0xbf: {  	[sflag:s0] =	ssyncadd.remote.s32 $0x1  }
0xc0: {  	_ =	sfence.sel $0xFFFF  }
0xc1: {  	[dreg:$0x0] =	wrdreg $0xFFFFFFFF;
	(pc) =	sbr.abs _section_cstart, $3  }
0xc2: {  	[dreg:$0x1] =	wrdreg $0xFFFFFFFF  }
0xc3: {  	_ =	task.clear_ibuf [dreg:s8], $0x2FFFF;
	_ =	strace $0x9FFFFFFF  }
0xc4: {  	(tm) =	ssettm $0x7FFFFFFF  }
0xc5: {  	_ =	shalt  }
tec
execute0_lowered:
.L_overlay_start_1:
0x0: {  	(tag) =	ssettag $0x1  }
0x1: {  	s2 =	srdreg.scid;
	s1 =	rddreg [dreg:$0x0]  }
0x2: {  	s0 =	stileid.u32;
	s7 =	rddreg [dreg:$0x1]  }
0x3: {  	s3 =	rddreg [dreg:$0x2];
	s5 =	simm.s32 $0x0;
	s11 =	simm.s32 $0x1100  }
0x4: {  	s12 =	simm.s32 $0x1080;
	s6 =	sand.u32 $0x1, s2;
	s31 =	sshll.u32 s0, $0x1  }
0x5: {  	s13 =	simm.s32 $0x3100;
	s14 =	simm.s32 $0x1;
	s2 =	sor.u32 s6, s31  }
0x6: {  	s15 =	simm.s32 $0x5100;
	s16 =	simm.s32 $0x2;
	s4 =	smul.u32 $0x320, s2  }
0x7: {  	s17 =	simm.s32 $0x4;
	s18 =	simm.s32 $0x7300;
	s19 =	simm.s32 $0x3  }
0x8: {  	s20 =	simm.s32 $0x0;
	[smem:$0x7FF] =	sst s5;
	s8 =	sadd.s32 $0x31F, s4  }
0x9: {  	s6 =	ssub.s32 $0x2, s6;
	s2 =	rddreg [dreg:$0x3];
	s9 =	sshll.u32 s8, $0x7  }
0xa: {  	v0 =	vlaneseq.u32;
	_ =	strace $0x80000047;
	s8 =	sshll.u32 s8, $0xA;
	s9 =	sand.u32 $0x3F80, s9  }
0xb: {  	v0 =	vmul.u32 $0x88, v0;
	s10 =	sshrl.u32 s6, $0x1;
	s8 =	sand.u32 $0x3FE0000, s8;
	s9 =	sadd.s32 s3, s9  }
0xc: {  	s10 =	ssub.s32 s6, s10;
	s6 =	sadd.s32 $0x400, s7;
	s7 =	sadd.s32 s8, s9  }
0xd: {  	v1 =	vadd.s32 $0x880, v0;
	v2 =	vadd.s32 $0x1100, v0;
	v3 =	vadd.s32 $0x1980, v0;
	s8 =	smax.u32 s10, $0x1;
	s9 =	simm.s32 $0x80;
	s10 =	simm.s32 $0x1000  }
.LBB2_1:
0xe: {  	s21 =	simm.s32 $0x0  }
.LBB2_2:
0xf: {  	s22 =	sshll.u32 s21, $0x1  }
0x10: {  	s23 =	sand.u32 $0x1E, s22  }
0x11: {  	s22 =	sadd.s32 s4, s22;
	p0 =	sne.s32 s23, $0x0  }
0x12: {  	s24 =	sshll.u32 @!p0 s22, $0xA  }
0x13: {  	s25 =	sshll.u32 @!p0 s22, $0x7;
	s26 =	sand.u32 @!p0 $0x380, s22;
	s24 =	sand.u32 @!p0 $0x18000, s24  }
0x14: {  	s25 =	sand.u32 @!p0 $0x7FFE0000, s25;
	s24 =	sor.u32 @!p0 s26, s24  }
0x15: {  	s24 =	sor.u32 @!p0 s25, s24  }
0x16: {  	s28 =	simm.s32 @!p0 $0x0;
	s24 =	sshrl.u32 @!p0 s24, $0x3  }
0x17: {  	s26 =	simm.s32 @!p0 $0x400;
	s25 =	simm.s32 @!p0 $0x80;
	s24 =	sadd.s32 @!p0 s1, s24  }
0x18: {  	[tilespmem:s28], [sflag:$0x5] =	stream.strided.gather @!p0 [hbm4b:s24+s25], $0x1000, s26, s25, $0x38;
	[tilespmem:$0x9500] =	vst v63  }
0x19: {  	s24 =	simm.s32 @!p0 $0x5  }
0x1a: {  	_ =	swait.ge @!p0 [sflag:s24], $0x1000  }
0x1b: {  	[sflag:s24] =	ssyncset.done @!p0 $0x0  }
0x1c: {  	s23 =	sshll.u32 s23, $0x7;
	[sflag:s24] =	ssyncadd.s32 @!p0 $0xFFFFF000  }
0x1d: {  	v4 =	vld [tilespmem:s23+$0x0]  }
0x1e: {  	v5 =	vld [tilespmem:s23+$0x10]  }
0x1f: {  	v6 =	vld [tilespmem:s23+$0x20]  }
0x20: {  	v7 =	vld [tilespmem:s23+$0x30]  }
0x21: {  	v8 =	vld [tilespmem:s23+$0x40]  }
0x22: {  	v9 =	vld [tilespmem:s23+$0x50]  }
0x23: {  	v10 =	vld [tilespmem:s23+$0x60];
	v4 =	vxor.u32 $0xFFFFFFFF, v4  }
0x24: {  	v11 =	vld [tilespmem:s23+$0x70];
	[tilespmem:$0x1000] =	vst v4;
	v4 =	vxor.u32 $0xFFFFFFFF, v5  }
0x25: {  	[tilespmem:$0x1010] =	vst v4;
	v4 =	vxor.u32 $0xFFFFFFFF, v6  }
0x26: {  	[tilespmem:$0x1020] =	vst v4;
	v4 =	vxor.u32 $0xFFFFFFFF, v7  }
0x27: {  	p0 =	seq.s32 s21, $0x0;
	[tilespmem:$0x1030] =	vst v4;
	v4 =	vxor.u32 $0xFFFFFFFF, v8  }
.Ltmp0:
0x28: {  	[tilespmem:$0x1040] =	vst v4;
	v4 =	vxor.u32 $0xFFFFFFFF, v9;
	(pc) =	sbr.rel @p0 .LBB2_8-.Ltmp0, $4  }
0x29: {  	[tilespmem:$0x1050] =	vst v4;
	v4 =	vxor.u32 $0xFFFFFFFF, v10  }
0x2a: {  	[tilespmem:$0x1060] =	vst v4;
	v4 =	vxor.u32 $0xFFFFFFFF, v11  }
0x2b: {  	[tilespmem:$0x1070] =	vst v4  }
0x2c: {  	[tilespmem:s11], [sflag:$0x1] =	stream.indirect.gather [hbm4b:s6+s9], $0x40, s10, s9, $0xb8;
	[tilespmem:$0x9500] =	vst v63  }
0x2d: {  	_ =	swait.ge [sflag:s16], $0x2000  }
0x2e: {  	p1 =	seq.s32 s21, $0x1;
	[sflag:s16] =	ssyncset.done $0x0  }
0x2f: {  	s24 =	simm.s32 @!p1 $0x4;
	[sflag:s16] =	ssyncadd.s32 $0xFFFFE000  }
0x30: {  	_ =	swait.ge @!p1 [sflag:s24], $0x2000  }
0x31: {  	[sflag:s24] =	ssyncset.done @!p1 $0x0  }
0x32: {  	v4 =	vimm.s32 $0x0;
	[sflag:s24] =	ssyncadd.s32 @!p1 $0xFFFFE000;
	s24 =	simm.s32 $0x31F0  }
0x33: {  	v7 =	vand.u32 $0xFFFFFFF8, v4;
	v5 =	vld [tilespmem:s24+$0xFFFFFF80]  }
0x34: {  	v8 =	vand.u32 $0x4, v4;
	v13 =	vadd.s32 v0, v7;
	v6 =	vld [tilespmem:s24+$0xFFFFFF70]  }
0x35: {  	v14 =	vadd.s32 v1, v7;
	v11 =	vor.u32 v8, v13;
	v10 =	vld [tilespmem:s24+$0xFFFFFF10]  }
0x36: {  	v15 =	vadd.s32 v2, v7;
	v16 =	vor.u32 v8, v14;
	v12 =	vld [tilespmem:s24+$0xFFFFFF20]  }
0x37: {  	v7 =	vadd.s32 v3, v7;
	v18 =	vor.u32 v8, v15;
	v17 =	vld [tilespmem:s24+$0xFFFFFF30]  }
0x38: {  	v21 =	vor.u32 $0x1, v8;
	v20 =	vor.u32 v8, v7;
	v19 =	vld [tilespmem:s24+$0xFFFFFF40]  }
0x39: {  	v23 =	vor.u32 v21, v13;
	v22 =	vld [tilespmem:s24+$0xFFFFFF50]  }
0x3a: {  	v9 =	vld [tilespmem:s24+$0xFFFFFF60];
	[tilespmem:v11+s18+$0x0] =	vst.idx.msk $0xffff, v10;
	v10 =	vor.u32 v21, v14  }
0x3b: {  	v11 =	vor.u32 v21, v15;
	[tilespmem:v16+s18+$0x0] =	vst.idx.msk $0xffff, v12  }
0x3c: {  	v12 =	vor.u32 v21, v7;
	[tilespmem:v18+s18+$0x0] =	vst.idx.msk $0xffff, v17  }
0x3d: {  	[tilespmem:v20+s18+$0x0] =	vst.idx.msk $0xffff, v19  }
0x3e: {  	[tilespmem:v23+s18+$0x0] =	vst.idx.msk $0xffff, v22  }
0x3f: {  	[tilespmem:v10+s18+$0x0] =	vst.idx.msk $0xffff, v9  }
0x40: {  	[tilespmem:v11+s18+$0x0] =	vst.idx.msk $0xffff, v6  }
0x41: {  	[tilespmem:v12+s18+$0x0] =	vst.idx.msk $0xffff, v5  }
0x42: {  	v16 =	vld [tilespmem:s24+$0xFFFFFFC0]  }
0x43: {  	v5 =	vor.u32 $0x2, v8;
	v6 =	vld [tilespmem:s24+$0xFFFFFFB0]  }
0x44: {  	v59 =	vor.u32 v5, v13;
	v19 =	vld [tilespmem:s24+$0xFFFFFF90]  }
0x45: {  	v17 =	vld [tilespmem:s24+$0xFFFFFFA0];
	v60 =	vor.u32 v5, v14  }
0x46: {  	v12 =	vld [tilespmem:s24+$0xFFFFFFD0];
	v61 =	vor.u32 v5, v15  }
0x47: {  	v10 =	vld [tilespmem:s24+$0xFFFFFFE0]  }
0x48: {  	v63 =	vor.u32 $0x3, v8;
	v62 =	vor.u32 v5, v7;
	v9 =	vld [tilespmem:s24+$0x0]  }
0x49: {  	v8 =	vor.u32 v63, v13;
	v11 =	vld [tilespmem:s24+$0xFFFFFFF0];
	[tilespmem:v59+s18+$0x0] =	vst.idx.msk $0xffff, v19  }
0x4a: {  	v5 =	vor.u32 v63, v14;
	[tilespmem:v60+s18+$0x0] =	vst.idx.msk $0xffff, v17  }
0x4b: {  	[tilespmem:v61+s18+$0x0] =	vst.idx.msk $0xffff, v6;
	v6 =	vor.u32 v63, v15  }
0x4c: {  	v7 =	vor.u32 v63, v7  }
0x4d: {  	s25 =	simm.s32 $0x0;
	[tilespmem:v62+s18+$0x0] =	vst.idx.msk $0xffff, v16  }
.LBB2_4:
0x4e: {  	s25 =	sadd.s32 $0x2, s25;
	[tilespmem:v8+s18+$0x0] =	vst.idx.msk $0xffff, v12;
	v4 =	vadd.s32 $0x4, v4;
	s24 =	sadd.s32 $0x100, s24  }
0x4f: {  	p1 =	slt.u32 s25, $0x3E;
	[tilespmem:v5+s18+$0x0] =	vst.idx.msk $0xffff, v10  }
0x50: {  	[tilespmem:v6+s18+$0x0] =	vst.idx.msk $0xffff, v11  }
0x51: {  	[tilespmem:v7+s18+$0x0] =	vst.idx.msk $0xffff, v9  }
0x52: {  	v9 =	vld [tilespmem:s24+$0xFFFFFF80]  }
0x53: {  	v5 =	vand.u32 $0xFFFFFFF8, v4;
	v6 =	vand.u32 $0x4, v4;
	v10 =	vld [tilespmem:s24+$0xFFFFFF70]  }
0x54: {  	v12 =	vadd.s32 v1, v5;
	v13 =	vadd.s32 v2, v5;
	v7 =	vadd.s32 v0, v5;
	v11 =	vld [tilespmem:s24+$0xFFFFFF60]  }
0x55: {  	v15 =	vadd.s32 v3, v5;
	v5 =	vor.u32 $0x2, v6;
	v14 =	vor.u32 v6, v7;
	v8 =	vld [tilespmem:s24+$0xFFFFFF10]  }
0x56: {  	v17 =	vor.u32 v6, v12;
	v18 =	vor.u32 v5, v7;
	v19 =	vor.u32 v5, v12;
	v16 =	vld [tilespmem:s24+$0xFFFFFF20]  }
0x57: {  	v21 =	vor.u32 v6, v13;
	v22 =	vor.u32 v5, v13;
	v23 =	vor.u32 v5, v15;
	v20 =	vld [tilespmem:s24+$0xFFFFFF30]  }
0x58: {  	v25 =	vor.u32 v6, v15;
	v26 =	vor.u32 $0x3, v6;
	v5 =	vor.u32 $0x1, v6;
	v24 =	vld [tilespmem:s24+$0xFFFFFF40]  }
0x59: {  	v28 =	vor.u32 v5, v7;
	v29 =	vor.u32 v5, v13;
	v30 =	vor.u32 v5, v15;
	v27 =	vld [tilespmem:s24+$0xFFFFFF50]  }
0x5a: {  	[tilespmem:v14+s18+$0x0] =	vst.idx.msk $0xffff, v8;
	v14 =	vor.u32 v5, v12;
	v8 =	vor.u32 v26, v7  }
0x5b: {  	v6 =	vor.u32 v26, v13;
	v5 =	vor.u32 v26, v12;
	[tilespmem:v17+s18+$0x0] =	vst.idx.msk $0xffff, v16  }
0x5c: {  	v7 =	vor.u32 v26, v15;
	[tilespmem:v21+s18+$0x0] =	vst.idx.msk $0xffff, v20  }
0x5d: {  	[tilespmem:v25+s18+$0x0] =	vst.idx.msk $0xffff, v24  }
0x5e: {  	[tilespmem:v28+s18+$0x0] =	vst.idx.msk $0xffff, v27  }
0x5f: {  	[tilespmem:v14+s18+$0x0] =	vst.idx.msk $0xffff, v11  }
0x60: {  	[tilespmem:v29+s18+$0x0] =	vst.idx.msk $0xffff, v10  }
0x61: {  	[tilespmem:v30+s18+$0x0] =	vst.idx.msk $0xffff, v9  }
0x62: {  	v13 =	vld [tilespmem:s24+$0xFFFFFFC0]  }
0x63: {  	v14 =	vld [tilespmem:s24+$0xFFFFFFB0]  }
0x64: {  	v15 =	vld [tilespmem:s24+$0xFFFFFFA0]  }
0x65: {  	v16 =	vld [tilespmem:s24+$0xFFFFFF90]  }
0x66: {  	v12 =	vld [tilespmem:s24+$0xFFFFFFD0]  }
0x67: {  	v10 =	vld [tilespmem:s24+$0xFFFFFFE0]  }
0x68: {  	v9 =	vld [tilespmem:s24+$0x0]  }
.Ltmp1:
0x69: {  	v11 =	vld [tilespmem:s24+$0xFFFFFFF0];
	(pc) =	sbr.rel @p1 .LBB2_4-.Ltmp1, $4  }
0x6a: {  	[tilespmem:v18+s18+$0x0] =	vst.idx.msk $0xffff, v16  }
0x6b: {  	[tilespmem:v19+s18+$0x0] =	vst.idx.msk $0xffff, v15  }
0x6c: {  	[tilespmem:v22+s18+$0x0] =	vst.idx.msk $0xffff, v14  }
0x6d: {  	[tilespmem:v23+s18+$0x0] =	vst.idx.msk $0xffff, v13  }
0x6e: {  	s24 =	sadd.s32 $0xFFFFFFFF, s22  }
0x6f: {  	s25 =	sshra.s32 s24, $0x1F  }
0x70: {  	s25 =	sshrl.u32 s25, $0x19  }
0x71: {  	s25 =	sadd.s32 s25, s24  }
0x72: {  	s25 =	sshra.s32 s25, $0x7  }
0x73: {  	s24 =	sshll.u32 s24, $0xA;
	s26 =	sshll.u32 s25, $0x11  }
0x74: {  	[tilespmem:v8+s18+$0x0] =	vst.idx.msk $0xffff, v12;
	s25 =	sshll.u32 s25, $0x14;
	s24 =	ssub.s32 s24, s26  }
0x75: {  	[tilespmem:v5+s18+$0x0] =	vst.idx.msk $0xffff, v10;
	s24 =	sadd.s32 s24, s25  }
0x76: {  	[tilespmem:v6+s18+$0x0] =	vst.idx.msk $0xffff, v11;
	s24 =	sshrl.u32 s24, $0x3  }
0x77: {  	[tilespmem:v7+s18+$0x0] =	vst.idx.msk $0xffff, v9;
	s26 =	simm.s32 $0x7300;
	s25 =	sadd.s32 s3, s24  }
0x78: {  	[hbm4b:s25+s5] =	stream.linear.scatter [tilespmem:s26], [sflag:$0x4], $0x80, $0x38;
	[tilespmem:$0x9500] =	vst v63  }
0x79: {  	s30 =	simm.s32 $0x7388;
	s31 =	sadd.s32 $0x10, s25  }
0x7a: {  	[hbm4b:s31+s5] =	stream.linear.scatter [tilespmem:s30], [sflag:$0x4], $0x80, $0x38;
	[tilespmem:$0x9500] =	vst v63  }
0x7b: {  	s28 =	simm.s32 $0x76B8;
	s30 =	simm.s32 $0x7410;
	s31 =	sadd.s32 $0x20, s25  }
0x7c: {  	[hbm4b:s31+s5] =	stream.linear.scatter [tilespmem:s30], [sflag:$0x4], $0x80, $0x38;
	[tilespmem:$0x9500] =	vst v63  }
0x7d: {  	s24 =	simm.s32 $0x440;
	s30 =	simm.s32 $0x7498;
	s31 =	sadd.s32 $0x30, s25  }
0x7e: {  	[hbm4b:s31+s5] =	stream.linear.scatter [tilespmem:s30], [sflag:$0x4], $0x80, $0x38;
	[tilespmem:$0x9500] =	vst v63  }
0x7f: {  	s26 =	simm.s32 $0x2200;
	s30 =	simm.s32 $0x7520;
	s31 =	sadd.s32 $0x40, s25  }
0x80: {  	[hbm4b:s31+s5] =	stream.linear.scatter [tilespmem:s30], [sflag:$0x4], $0x80, $0x38;
	[tilespmem:$0x9500] =	vst v63  }
0x81: {  	s29 =	sadd.s32 $0x70, s25;
	s30 =	simm.s32 $0x75A8;
	s31 =	sadd.s32 $0x50, s25  }
0x82: {  	[hbm4b:s31+s5] =	stream.linear.scatter [tilespmem:s30], [sflag:$0x4], $0x80, $0x38;
	[tilespmem:$0x9500] =	vst v63  }
0x83: {  	s30 =	simm.s32 $0x7630;
	s31 =	sadd.s32 $0x60, s25;
	s25 =	sadd.s32 $0x4000, s25  }
0x84: {  	[hbm4b:s31+s5] =	stream.linear.scatter [tilespmem:s30], [sflag:$0x4], $0x80, $0x38;
	[tilespmem:$0x9500] =	vst v63  }
.LBB2_6:
0x85: {  	[hbm4b:s29+s5] =	stream.linear.scatter [tilespmem:s28], [sflag:$0x4], $0x80, $0x38;
	[tilespmem:$0x9500] =	vst v63  }
0x86: {  	s28 =	smov.u32 s24;
	s24 =	smov.u32 s26  }
0x87: {  	s30 =	sadd.s32 $0x1100, s26;
	s24 =	sshra.s32 s24, $0x2;
	s29 =	sadd.s32 $0x7300, s28  }
0x88: {  	[hbm4b:s25+s5] =	stream.linear.scatter [tilespmem:s29], [sflag:$0x4], $0x80, $0x38;
	[tilespmem:$0x9500] =	vst v63  }
0x89: {  	p1 =	sne.s32 s26, $0x7700;
	s26 =	sadd.s32 $0x7388, s28;
	s29 =	sadd.s32 $0x10, s25  }
0x8a: {  	[hbm4b:s29+s5] =	stream.linear.scatter [tilespmem:s26], [sflag:$0x4], $0x80, $0x38;
	[tilespmem:$0x9500] =	vst v63  }
0x8b: {  	s26 =	sadd.s32 $0x7410, s28;
	s29 =	sadd.s32 $0x20, s25  }
0x8c: {  	[hbm4b:s29+s5] =	stream.linear.scatter [tilespmem:s26], [sflag:$0x4], $0x80, $0x38;
	[tilespmem:$0x9500] =	vst v63  }
0x8d: {  	s26 =	sadd.s32 $0x7498, s28;
	s29 =	sadd.s32 $0x30, s25  }
0x8e: {  	[hbm4b:s29+s5] =	stream.linear.scatter [tilespmem:s26], [sflag:$0x4], $0x80, $0x38;
	[tilespmem:$0x9500] =	vst v63  }
0x8f: {  	s26 =	sadd.s32 $0x7520, s28;
	s29 =	sadd.s32 $0x40, s25  }
0x90: {  	[hbm4b:s29+s5] =	stream.linear.scatter [tilespmem:s26], [sflag:$0x4], $0x80, $0x38;
	[tilespmem:$0x9500] =	vst v63  }
.Ltmp2:
0x91: {  	s26 =	sadd.s32 $0x75A8, s28;
	s29 =	sadd.s32 $0x50, s25;
	(pc) =	sbr.rel @p1 .LBB2_6-.Ltmp2, $4  }
0x92: {  	[hbm4b:s29+s5] =	stream.linear.scatter [tilespmem:s26], [sflag:$0x4], $0x80, $0x38;
	[tilespmem:$0x9500] =	vst v63  }
0x93: {  	s26 =	sadd.s32 $0x7630, s28;
	s29 =	sadd.s32 $0x60, s25;
	s28 =	sadd.s32 $0x76B8, s28  }
0x94: {  	[hbm4b:s29+s5] =	stream.linear.scatter [tilespmem:s26], [sflag:$0x4], $0x80, $0x38;
	[tilespmem:$0x9500] =	vst v63  }
0x95: {  	s29 =	sadd.s32 $0x70, s25;
	s25 =	sadd.s32 $0x4000, s25;
	s26 =	smov.u32 s30  }
0x96: {  	[hbm4b:s29+s5] =	stream.linear.scatter [tilespmem:s28], [sflag:$0x4], $0x80, $0x38;
	[tilespmem:$0x9500] =	vst v63  }
0x97: {  	s26 =	sadd.s32 $0x7300, s24  }
0x98: {  	[hbm4b:s25+s5] =	stream.linear.scatter [tilespmem:s26], [sflag:$0x4], $0x80, $0x38;
	[tilespmem:$0x9500] =	vst v63  }
0x99: {  	s30 =	sadd.s32 $0x7388, s24;
	s31 =	sadd.s32 $0x10, s25  }
0x9a: {  	[hbm4b:s31+s5] =	stream.linear.scatter [tilespmem:s30], [sflag:$0x4], $0x80, $0x38;
	[tilespmem:$0x9500] =	vst v63  }
0x9b: {  	s29 =	sadd.s32 $0x7410, s24;
	s30 =	sadd.s32 $0x20, s25  }
0x9c: {  	[hbm4b:s30+s5] =	stream.linear.scatter [tilespmem:s29], [sflag:$0x4], $0x80, $0x38;
	[tilespmem:$0x9500] =	vst v63  }
0x9d: {  	s31 =	sadd.s32 $0x7498, s24;
	s29 =	sadd.s32 $0x30, s25  }
0x9e: {  	[hbm4b:s29+s5] =	stream.linear.scatter [tilespmem:s31], [sflag:$0x4], $0x80, $0x38;
	[tilespmem:$0x9500] =	vst v63  }
0x9f: {  	s30 =	sadd.s32 $0x7520, s24;
	s31 =	sadd.s32 $0x40, s25  }
0xa0: {  	[hbm4b:s31+s5] =	stream.linear.scatter [tilespmem:s30], [sflag:$0x4], $0x80, $0x38;
	[tilespmem:$0x9500] =	vst v63  }
0xa1: {  	s29 =	sadd.s32 $0x75A8, s24;
	s30 =	sadd.s32 $0x50, s25  }
0xa2: {  	[hbm4b:s30+s5] =	stream.linear.scatter [tilespmem:s29], [sflag:$0x4], $0x80, $0x38;
	[tilespmem:$0x9500] =	vst v63  }
0xa3: {  	s31 =	sadd.s32 $0x7630, s24;
	s29 =	sadd.s32 $0x60, s25  }
0xa4: {  	[hbm4b:s29+s5] =	stream.linear.scatter [tilespmem:s31], [sflag:$0x4], $0x80, $0x38;
	[tilespmem:$0x9500] =	vst v63  }
0xa5: {  	s30 =	sadd.s32 $0x76B8, s24;
	s31 =	sadd.s32 $0x70, s25  }
0xa6: {  	[hbm4b:s31+s5] =	stream.linear.scatter [tilespmem:s30], [sflag:$0x4], $0x80, $0x38;
	[tilespmem:$0x9500] =	vst v63  }
.LBB2_8:
0xa7: {  	v4 =	vld [tilespmem:s23+$0x80]  }
0xa8: {  	v5 =	vld [tilespmem:s23+$0x90]  }
0xa9: {  	v6 =	vld [tilespmem:s23+$0xA0]  }
0xaa: {  	v7 =	vld [tilespmem:s23+$0xB0]  }
0xab: {  	v8 =	vld [tilespmem:s23+$0xC0]  }
0xac: {  	v9 =	vld [tilespmem:s23+$0xD0]  }
0xad: {  	v10 =	vld [tilespmem:s23+$0xE0];
	v4 =	vxor.u32 $0xFFFFFFFF, v4  }
0xae: {  	v11 =	vld [tilespmem:s23+$0xF0];
	[tilespmem:$0x1080] =	vst v4;
	v4 =	vxor.u32 $0xFFFFFFFF, v5  }
0xaf: {  	[tilespmem:$0x1090] =	vst v4;
	v4 =	vxor.u32 $0xFFFFFFFF, v6  }
0xb0: {  	[tilespmem:$0x10A0] =	vst v4;
	v4 =	vxor.u32 $0xFFFFFFFF, v7  }
0xb1: {  	[tilespmem:$0x10B0] =	vst v4;
	v4 =	vxor.u32 $0xFFFFFFFF, v8  }
0xb2: {  	[tilespmem:$0x10C0] =	vst v4;
	v4 =	vxor.u32 $0xFFFFFFFF, v9  }
0xb3: {  	[tilespmem:$0x10D0] =	vst v4;
	v4 =	vxor.u32 $0xFFFFFFFF, v10  }
0xb4: {  	[tilespmem:$0x10E0] =	vst v4;
	v4 =	vxor.u32 $0xFFFFFFFF, v11  }
0xb5: {  	[tilespmem:$0x10F0] =	vst v4  }
0xb6: {  	[tilespmem:s13], [sflag:$0x2] =	stream.indirect.gather [hbm4b:s6+s9], $0x40, s12, s9, $0xb8;
	[tilespmem:$0x9500] =	vst v63  }
0xb7: {  	_ =	swait.ge [sflag:s14], $0x2000  }
0xb8: {  	[sflag:s14] =	ssyncset.done $0x0  }
0xb9: {  	s23 =	simm.s32 @!p0 $0x3;
	[sflag:s14] =	ssyncadd.s32 $0xFFFFE000  }
0xba: {  	_ =	swait.ge @!p0 [sflag:s23], $0x2000  }
0xbb: {  	[sflag:s23] =	ssyncset.done @!p0 $0x0  }
0xbc: {  	v4 =	vimm.s32 $0x0;
	[sflag:s23] =	ssyncadd.s32 @!p0 $0xFFFFE000;
	s23 =	simm.s32 $0x1180  }
0xbd: {  	v7 =	vand.u32 $0xFFFFFFF8, v4;
	v5 =	vld [tilespmem:s23+$0xFFFFFFF0]  }
0xbe: {  	v8 =	vand.u32 $0x4, v4;
	v13 =	vadd.s32 v0, v7;
	v6 =	vld [tilespmem:s23+$0xFFFFFFE0]  }
0xbf: {  	v14 =	vadd.s32 v1, v7;
	v11 =	vor.u32 v8, v13;
	v10 =	vld [tilespmem:s23+$0xFFFFFF80]  }
0xc0: {  	v15 =	vadd.s32 v2, v7;
	v16 =	vor.u32 v8, v14;
	v12 =	vld [tilespmem:s23+$0xFFFFFF90]  }
0xc1: {  	v17 =	vadd.s32 v3, v7;
	v18 =	vor.u32 v8, v15;
	v7 =	vld [tilespmem:s23+$0xFFFFFFA0]  }
0xc2: {  	v21 =	vor.u32 $0x1, v8;
	v20 =	vor.u32 v8, v17;
	v19 =	vld [tilespmem:s23+$0xFFFFFFB0]  }
0xc3: {  	v23 =	vor.u32 v21, v13;
	v22 =	vld [tilespmem:s23+$0xFFFFFFC0]  }
0xc4: {  	v9 =	vld [tilespmem:s23+$0xFFFFFFD0];
	[tilespmem:v11+s15+$0x0] =	vst.idx.msk $0xffff, v10;
	v10 =	vor.u32 v21, v14  }
0xc5: {  	v11 =	vor.u32 v21, v15;
	[tilespmem:v16+s15+$0x0] =	vst.idx.msk $0xffff, v12  }
0xc6: {  	v12 =	vor.u32 v21, v17;
	[tilespmem:v18+s15+$0x0] =	vst.idx.msk $0xffff, v7  }
0xc7: {  	[tilespmem:v20+s15+$0x0] =	vst.idx.msk $0xffff, v19  }
0xc8: {  	[tilespmem:v23+s15+$0x0] =	vst.idx.msk $0xffff, v22  }
0xc9: {  	[tilespmem:v10+s15+$0x0] =	vst.idx.msk $0xffff, v9  }
0xca: {  	[tilespmem:v11+s15+$0x0] =	vst.idx.msk $0xffff, v6  }
0xcb: {  	[tilespmem:v12+s15+$0x0] =	vst.idx.msk $0xffff, v5  }
0xcc: {  	v16 =	vld [tilespmem:s23+$0x30]  }
0xcd: {  	v6 =	vor.u32 $0x2, v8;
	v5 =	vld [tilespmem:s23+$0x20]  }
0xce: {  	v59 =	vor.u32 v6, v13;
	v19 =	vld [tilespmem:s23+$0x0]  }
0xcf: {  	v60 =	vor.u32 v6, v14;
	v7 =	vld [tilespmem:s23+$0x10]  }
0xd0: {  	v12 =	vld [tilespmem:s23+$0x40]  }
0xd1: {  	v61 =	vor.u32 v6, v15;
	v10 =	vld [tilespmem:s23+$0x50]  }
0xd2: {  	v63 =	vor.u32 $0x3, v8;
	v62 =	vor.u32 v6, v17;
	v9 =	vld [tilespmem:s23+$0x70]  }
0xd3: {  	v8 =	vor.u32 v63, v13;
	v11 =	vld [tilespmem:s23+$0x60];
	[tilespmem:v59+s15+$0x0] =	vst.idx.msk $0xffff, v19  }
0xd4: {  	[tilespmem:v60+s15+$0x0] =	vst.idx.msk $0xffff, v7;
	v7 =	vor.u32 v63, v14  }
0xd5: {  	v6 =	vor.u32 v63, v15  }
0xd6: {  	[tilespmem:v61+s15+$0x0] =	vst.idx.msk $0xffff, v5;
	v5 =	vor.u32 v63, v17  }
0xd7: {  	s24 =	simm.s32 $0x0;
	[tilespmem:v62+s15+$0x0] =	vst.idx.msk $0xffff, v16  }
.LBB2_9:
0xd8: {  	s24 =	sadd.s32 $0x2, s24;
	[tilespmem:v8+s15+$0x0] =	vst.idx.msk $0xffff, v12;
	v4 =	vadd.s32 $0x4, v4;
	s23 =	sadd.s32 $0x100, s23  }
0xd9: {  	p0 =	slt.u32 s24, $0x3E;
	[tilespmem:v7+s15+$0x0] =	vst.idx.msk $0xffff, v10  }
0xda: {  	[tilespmem:v6+s15+$0x0] =	vst.idx.msk $0xffff, v11  }
0xdb: {  	[tilespmem:v5+s15+$0x0] =	vst.idx.msk $0xffff, v9  }
0xdc: {  	v9 =	vld [tilespmem:s23+$0xFFFFFFF0]  }
0xdd: {  	v6 =	vand.u32 $0x4, v4;
	v5 =	vand.u32 $0xFFFFFFF8, v4;
	v10 =	vld [tilespmem:s23+$0xFFFFFFE0]  }
0xde: {  	v7 =	vadd.s32 v0, v5;
	v12 =	vadd.s32 v1, v5;
	v13 =	vadd.s32 v2, v5;
	v11 =	vld [tilespmem:s23+$0xFFFFFFD0]  }
0xdf: {  	v15 =	vor.u32 $0x2, v6;
	v5 =	vadd.s32 v3, v5;
	v14 =	vor.u32 v6, v7;
	v8 =	vld [tilespmem:s23+$0xFFFFFF80]  }
0xe0: {  	v17 =	vor.u32 v6, v12;
	v18 =	vor.u32 v15, v7;
	v19 =	vor.u32 v15, v12;
	v16 =	vld [tilespmem:s23+$0xFFFFFF90]  }
0xe1: {  	v21 =	vor.u32 v6, v13;
	v22 =	vor.u32 v15, v13;
	v15 =	vor.u32 v15, v5;
	v20 =	vld [tilespmem:s23+$0xFFFFFFA0]  }
0xe2: {  	v25 =	vor.u32 $0x1, v6;
	v26 =	vor.u32 $0x3, v6;
	v24 =	vor.u32 v6, v5;
	v23 =	vld [tilespmem:s23+$0xFFFFFFB0]  }
0xe3: {  	v28 =	vor.u32 v25, v7;
	v29 =	vor.u32 v25, v13;
	v30 =	vor.u32 v25, v5;
	v27 =	vld [tilespmem:s23+$0xFFFFFFC0]  }
0xe4: {  	[tilespmem:v14+s15+$0x0] =	vst.idx.msk $0xffff, v8;
	v14 =	vor.u32 v25, v12;
	v8 =	vor.u32 v26, v7  }
0xe5: {  	v6 =	vor.u32 v26, v13;
	v7 =	vor.u32 v26, v12;
	[tilespmem:v17+s15+$0x0] =	vst.idx.msk $0xffff, v16  }
0xe6: {  	v5 =	vor.u32 v26, v5;
	[tilespmem:v21+s15+$0x0] =	vst.idx.msk $0xffff, v20  }
0xe7: {  	[tilespmem:v24+s15+$0x0] =	vst.idx.msk $0xffff, v23  }
0xe8: {  	[tilespmem:v28+s15+$0x0] =	vst.idx.msk $0xffff, v27  }
0xe9: {  	[tilespmem:v14+s15+$0x0] =	vst.idx.msk $0xffff, v11  }
0xea: {  	[tilespmem:v29+s15+$0x0] =	vst.idx.msk $0xffff, v10  }
0xeb: {  	[tilespmem:v30+s15+$0x0] =	vst.idx.msk $0xffff, v9  }
0xec: {  	v13 =	vld [tilespmem:s23+$0x30]  }
0xed: {  	v14 =	vld [tilespmem:s23+$0x20]  }
0xee: {  	v16 =	vld [tilespmem:s23+$0x10]  }
0xef: {  	v17 =	vld [tilespmem:s23+$0x0]  }
0xf0: {  	v12 =	vld [tilespmem:s23+$0x40]  }
0xf1: {  	v10 =	vld [tilespmem:s23+$0x50]  }
0xf2: {  	v9 =	vld [tilespmem:s23+$0x70]  }
.Ltmp3:
0xf3: {  	v11 =	vld [tilespmem:s23+$0x60];
	(pc) =	sbr.rel @p0 .LBB2_9-.Ltmp3, $4  }
0xf4: {  	[tilespmem:v18+s15+$0x0] =	vst.idx.msk $0xffff, v17  }
0xf5: {  	[tilespmem:v19+s15+$0x0] =	vst.idx.msk $0xffff, v16  }
0xf6: {  	[tilespmem:v22+s15+$0x0] =	vst.idx.msk $0xffff, v14  }
0xf7: {  	[tilespmem:v15+s15+$0x0] =	vst.idx.msk $0xffff, v13  }
0xf8: {  	_ =	sdelay $0x3  }
0xf9: {  	[tilespmem:v8+s15+$0x0] =	vst.idx.msk $0xffff, v12;
	s23 =	sshll.u32 s22, $0x7  }
0xfa: {  	s24 =	sshll.u32 s22, $0xA;
	[tilespmem:v7+s15+$0x0] =	vst.idx.msk $0xffff, v10;
	s23 =	sand.u32 $0x3F00, s23  }
0xfb: {  	s22 =	sand.u32 $0xFFE0000, s24;
	[tilespmem:v6+s15+$0x0] =	vst.idx.msk $0xffff, v11;
	s23 =	sadd.s32 s3, s23  }
0xfc: {  	s25 =	simm.s32 $0x5100;
	[tilespmem:v5+s15+$0x0] =	vst.idx.msk $0xffff, v9;
	s23 =	sadd.s32 s22, s23  }
0xfd: {  	[hbm4b:s23+s5] =	stream.linear.scatter [tilespmem:s25], [sflag:$0x3], $0x80, $0x38;
	[tilespmem:$0x9500] =	vst v63  }
0xfe: {  	s26 =	simm.s32 $0x5188;
	s24 =	sadd.s32 $0x10, s23  }
0xff: {  	[hbm4b:s24+s5] =	stream.linear.scatter [tilespmem:s26], [sflag:$0x3], $0x80, $0x38;
	[tilespmem:$0x9500] =	vst v63  }
0x100: {  	s28 =	simm.s32 $0x5210;
	s30 =	simm.s32 $0x5298;
	s29 =	sadd.s32 $0x20, s23  }
0x101: {  	[hbm4b:s29+s5] =	stream.linear.scatter [tilespmem:s28], [sflag:$0x3], $0x80, $0x38;
	[tilespmem:$0x9500] =	vst v63  }
0x102: {  	s22 =	simm.s32 $0x440;
	s31 =	sadd.s32 $0x30, s23;
	s25 =	simm.s32 $0x5320  }
0x103: {  	[hbm4b:s31+s5] =	stream.linear.scatter [tilespmem:s30], [sflag:$0x3], $0x80, $0x38;
	[tilespmem:$0x9500] =	vst v63  }
0x104: {  	s26 =	sadd.s32 $0x40, s23;
	s24 =	simm.s32 $0x2200;
	s28 =	simm.s32 $0x53A8  }
0x105: {  	[hbm4b:s26+s5] =	stream.linear.scatter [tilespmem:s25], [sflag:$0x3], $0x80, $0x38;
	[tilespmem:$0x9500] =	vst v63  }
0x106: {  	s29 =	sadd.s32 $0x50, s23;
	s30 =	simm.s32 $0x5430;
	s31 =	sadd.s32 $0x60, s23  }
0x107: {  	[hbm4b:s29+s5] =	stream.linear.scatter [tilespmem:s28], [sflag:$0x3], $0x80, $0x38;
	[tilespmem:$0x9500] =	vst v63  }
0x108: {  	s25 =	simm.s32 $0x54B8;
	s26 =	sadd.s32 $0x70, s23;
	s23 =	sadd.s32 $0x4000, s23  }
0x109: {  	[hbm4b:s31+s5] =	stream.linear.scatter [tilespmem:s30], [sflag:$0x3], $0x80, $0x38;
	[tilespmem:$0x9500] =	vst v63  }
.LBB2_11:
0x10a: {  	[hbm4b:s26+s5] =	stream.linear.scatter [tilespmem:s25], [sflag:$0x3], $0x80, $0x38;
	[tilespmem:$0x9500] =	vst v63  }
0x10b: {  	s25 =	smov.u32 s22;
	s22 =	smov.u32 s24  }
0x10c: {  	s28 =	sadd.s32 $0x1100, s24;
	s22 =	sshra.s32 s22, $0x2;
	s26 =	sadd.s32 $0x5100, s25  }
0x10d: {  	[hbm4b:s23+s5] =	stream.linear.scatter [tilespmem:s26], [sflag:$0x3], $0x80, $0x38;
	[tilespmem:$0x9500] =	vst v63  }
0x10e: {  	p0 =	sne.s32 s24, $0x7700;
	s24 =	sadd.s32 $0x5188, s25;
	s26 =	sadd.s32 $0x10, s23  }
0x10f: {  	[hbm4b:s26+s5] =	stream.linear.scatter [tilespmem:s24], [sflag:$0x3], $0x80, $0x38;
	[tilespmem:$0x9500] =	vst v63  }
0x110: {  	s24 =	sadd.s32 $0x5210, s25;
	s26 =	sadd.s32 $0x20, s23  }
0x111: {  	[hbm4b:s26+s5] =	stream.linear.scatter [tilespmem:s24], [sflag:$0x3], $0x80, $0x38;
	[tilespmem:$0x9500] =	vst v63  }
0x112: {  	s24 =	sadd.s32 $0x5298, s25;
	s26 =	sadd.s32 $0x30, s23  }
0x113: {  	[hbm4b:s26+s5] =	stream.linear.scatter [tilespmem:s24], [sflag:$0x3], $0x80, $0x38;
	[tilespmem:$0x9500] =	vst v63  }
0x114: {  	s24 =	sadd.s32 $0x5320, s25;
	s26 =	sadd.s32 $0x40, s23  }
0x115: {  	[hbm4b:s26+s5] =	stream.linear.scatter [tilespmem:s24], [sflag:$0x3], $0x80, $0x38;
	[tilespmem:$0x9500] =	vst v63  }
.Ltmp4:
0x116: {  	s24 =	sadd.s32 $0x53A8, s25;
	s26 =	sadd.s32 $0x50, s23;
	(pc) =	sbr.rel @p0 .LBB2_11-.Ltmp4, $4  }
0x117: {  	[hbm4b:s26+s5] =	stream.linear.scatter [tilespmem:s24], [sflag:$0x3], $0x80, $0x38;
	[tilespmem:$0x9500] =	vst v63  }
0x118: {  	s24 =	sadd.s32 $0x5430, s25;
	s26 =	sadd.s32 $0x60, s23;
	s25 =	sadd.s32 $0x54B8, s25  }
0x119: {  	[hbm4b:s26+s5] =	stream.linear.scatter [tilespmem:s24], [sflag:$0x3], $0x80, $0x38;
	[tilespmem:$0x9500] =	vst v63  }
0x11a: {  	s26 =	sadd.s32 $0x70, s23;
	s23 =	sadd.s32 $0x4000, s23;
	s24 =	smov.u32 s28  }
0x11b: {  	[hbm4b:s26+s5] =	stream.linear.scatter [tilespmem:s25], [sflag:$0x3], $0x80, $0x38;
	[tilespmem:$0x9500] =	vst v63  }
0x11c: {  	s24 =	sadd.s32 $0x5100, s22  }
0x11d: {  	[hbm4b:s23+s5] =	stream.linear.scatter [tilespmem:s24], [sflag:$0x3], $0x80, $0x38;
	[tilespmem:$0x9500] =	vst v63  }
0x11e: {  	s30 =	sadd.s32 $0x5188, s22;
	s31 =	sadd.s32 $0x10, s23  }
0x11f: {  	[hbm4b:s31+s5] =	stream.linear.scatter [tilespmem:s30], [sflag:$0x3], $0x80, $0x38;
	[tilespmem:$0x9500] =	vst v63  }
0x120: {  	s25 =	sadd.s32 $0x5210, s22;
	s26 =	sadd.s32 $0x20, s23  }
0x121: {  	[hbm4b:s26+s5] =	stream.linear.scatter [tilespmem:s25], [sflag:$0x3], $0x80, $0x38;
	[tilespmem:$0x9500] =	vst v63  }
0x122: {  	s28 =	sadd.s32 $0x5298, s22;
	s29 =	sadd.s32 $0x30, s23  }
0x123: {  	[hbm4b:s29+s5] =	stream.linear.scatter [tilespmem:s28], [sflag:$0x3], $0x80, $0x38;
	[tilespmem:$0x9500] =	vst v63  }
0x124: {  	s21 =	sadd.s32 $0x1, s21;
	s30 =	sadd.s32 $0x5320, s22;
	s31 =	sadd.s32 $0x40, s23  }
0x125: {  	[hbm4b:s31+s5] =	stream.linear.scatter [tilespmem:s30], [sflag:$0x3], $0x80, $0x38;
	[tilespmem:$0x9500] =	vst v63  }
0x126: {  	p0 =	sne.s32 s21, $0x190;
	s25 =	sadd.s32 $0x53A8, s22;
	s26 =	sadd.s32 $0x50, s23  }
0x127: {  	[hbm4b:s26+s5] =	stream.linear.scatter [tilespmem:s25], [sflag:$0x3], $0x80, $0x38;
	[tilespmem:$0x9500] =	vst v63  }
.Ltmp5:
0x128: {  	_ = 	snop;
	(pc) =	sbr.rel @p0 .LBB2_2-.Ltmp5, $4  }
0x129: {  	s28 =	sadd.s32 $0x5430, s22;
	s29 =	sadd.s32 $0x60, s23  }
0x12a: {  	[hbm4b:s29+s5] =	stream.linear.scatter [tilespmem:s28], [sflag:$0x3], $0x80, $0x38;
	[tilespmem:$0x9500] =	vst v63  }
0x12b: {  	s30 =	sadd.s32 $0x54B8, s22;
	s31 =	sadd.s32 $0x70, s23  }
0x12c: {  	[hbm4b:s31+s5] =	stream.linear.scatter [tilespmem:s30], [sflag:$0x3], $0x80, $0x38;
	[tilespmem:$0x9500] =	vst v63  }
0x12d: {  	_ =	swait.ge [sflag:s16], $0x2000  }
0x12e: {  	[sflag:s16] =	ssyncset.done $0x0  }
0x12f: {  	[sflag:s16] =	ssyncadd.s32 $0xFFFFE000  }
0x130: {  	_ =	swait.ge [sflag:s17], $0x2000  }
0x131: {  	[sflag:s17] =	ssyncset.done $0x0  }
0x132: {  	s21 =	simm.s32 $0x31F0;
	v4 =	vimm.s32 $0x0;
	[sflag:s17] =	ssyncadd.s32 $0xFFFFE000  }
0x133: {  	v7 =	vand.u32 $0xFFFFFFF8, v4;
	v5 =	vld [tilespmem:s21+$0xFFFFFF80]  }
0x134: {  	v8 =	vand.u32 $0x4, v4;
	v13 =	vadd.s32 v0, v7;
	v6 =	vld [tilespmem:s21+$0xFFFFFF70]  }
0x135: {  	v14 =	vadd.s32 v1, v7;
	v11 =	vor.u32 v8, v13;
	v10 =	vld [tilespmem:s21+$0xFFFFFF10]  }
0x136: {  	v15 =	vadd.s32 v2, v7;
	v16 =	vor.u32 v8, v14;
	v12 =	vld [tilespmem:s21+$0xFFFFFF20]  }
0x137: {  	v17 =	vadd.s32 v3, v7;
	v18 =	vor.u32 v8, v15;
	v7 =	vld [tilespmem:s21+$0xFFFFFF30]  }
0x138: {  	v21 =	vor.u32 $0x1, v8;
	v20 =	vor.u32 v8, v17;
	v19 =	vld [tilespmem:s21+$0xFFFFFF40]  }
0x139: {  	v23 =	vor.u32 v21, v13;
	v22 =	vld [tilespmem:s21+$0xFFFFFF50]  }
0x13a: {  	v9 =	vld [tilespmem:s21+$0xFFFFFF60];
	[tilespmem:v11+s18+$0x0] =	vst.idx.msk $0xffff, v10;
	v10 =	vor.u32 v21, v14  }
0x13b: {  	v11 =	vor.u32 v21, v15;
	[tilespmem:v16+s18+$0x0] =	vst.idx.msk $0xffff, v12  }
0x13c: {  	v12 =	vor.u32 v21, v17;
	[tilespmem:v18+s18+$0x0] =	vst.idx.msk $0xffff, v7  }
0x13d: {  	[tilespmem:v20+s18+$0x0] =	vst.idx.msk $0xffff, v19  }
0x13e: {  	[tilespmem:v23+s18+$0x0] =	vst.idx.msk $0xffff, v22  }
0x13f: {  	[tilespmem:v10+s18+$0x0] =	vst.idx.msk $0xffff, v9  }
0x140: {  	[tilespmem:v11+s18+$0x0] =	vst.idx.msk $0xffff, v6  }
0x141: {  	[tilespmem:v12+s18+$0x0] =	vst.idx.msk $0xffff, v5  }
0x142: {  	v16 =	vld [tilespmem:s21+$0xFFFFFFC0]  }
0x143: {  	v5 =	vor.u32 $0x2, v8;
	v6 =	vld [tilespmem:s21+$0xFFFFFFB0]  }
0x144: {  	v60 =	vor.u32 v5, v13;
	v19 =	vld [tilespmem:s21+$0xFFFFFF90]  }
0x145: {  	v7 =	vld [tilespmem:s21+$0xFFFFFFA0];
	v61 =	vor.u32 v5, v14  }
0x146: {  	v11 =	vld [tilespmem:s21+$0xFFFFFFD0]  }
0x147: {  	v62 =	vor.u32 v5, v15;
	v10 =	vld [tilespmem:s21+$0xFFFFFFE0]  }
0x148: {  	v9 =	vld [tilespmem:s21+$0x0]  }
0x149: {  	v8 =	vor.u32 $0x3, v8;
	v63 =	vor.u32 v5, v17;
	v12 =	vld [tilespmem:s21+$0xFFFFFFF0];
	[tilespmem:v60+s18+$0x0] =	vst.idx.msk $0xffff, v19  }
0x14a: {  	[tilespmem:v61+s18+$0x0] =	vst.idx.msk $0xffff, v7;
	v7 =	vor.u32 v8, v13  }
0x14b: {  	v5 =	vor.u32 v8, v14  }
0x14c: {  	[tilespmem:v62+s18+$0x0] =	vst.idx.msk $0xffff, v6;
	v6 =	vor.u32 v8, v15  }
0x14d: {  	v8 =	vor.u32 v8, v17  }
0x14e: {  	s22 =	simm.s32 $0x0;
	[tilespmem:v63+s18+$0x0] =	vst.idx.msk $0xffff, v16  }
.LBB2_14:
0x14f: {  	s22 =	sadd.s32 $0x2, s22;
	[tilespmem:v7+s18+$0x0] =	vst.idx.msk $0xffff, v11;
	v4 =	vadd.s32 $0x4, v4;
	s21 =	sadd.s32 $0x100, s21  }
0x150: {  	p0 =	slt.u32 s22, $0x3E;
	[tilespmem:v5+s18+$0x0] =	vst.idx.msk $0xffff, v10  }
0x151: {  	[tilespmem:v6+s18+$0x0] =	vst.idx.msk $0xffff, v12  }
0x152: {  	[tilespmem:v8+s18+$0x0] =	vst.idx.msk $0xffff, v9  }
0x153: {  	v9 =	vld [tilespmem:s21+$0xFFFFFF80]  }
0x154: {  	v5 =	vand.u32 $0xFFFFFFF8, v4;
	v6 =	vand.u32 $0x4, v4;
	v10 =	vld [tilespmem:s21+$0xFFFFFF70]  }
0x155: {  	v7 =	vadd.s32 v0, v5;
	v12 =	vadd.s32 v2, v5;
	v8 =	vadd.s32 v1, v5;
	v11 =	vld [tilespmem:s21+$0xFFFFFF60]  }
0x156: {  	v15 =	vadd.s32 v3, v5;
	v14 =	vor.u32 v6, v7;
	v5 =	vor.u32 $0x2, v6;
	v13 =	vld [tilespmem:s21+$0xFFFFFF10]  }
0x157: {  	v17 =	vor.u32 v6, v8;
	v18 =	vor.u32 v5, v7;
	v19 =	vor.u32 v5, v8;
	v16 =	vld [tilespmem:s21+$0xFFFFFF20]  }
0x158: {  	v21 =	vor.u32 v6, v12;
	v22 =	vor.u32 v5, v12;
	v23 =	vor.u32 v5, v15;
	v20 =	vld [tilespmem:s21+$0xFFFFFF30]  }
0x159: {  	v25 =	vor.u32 v6, v15;
	v26 =	vor.u32 $0x3, v6;
	v5 =	vor.u32 $0x1, v6;
	v24 =	vld [tilespmem:s21+$0xFFFFFF40]  }
0x15a: {  	v28 =	vor.u32 v5, v7;
	v29 =	vor.u32 v5, v12;
	v30 =	vor.u32 v5, v15;
	v27 =	vld [tilespmem:s21+$0xFFFFFF50]  }
0x15b: {  	v7 =	vor.u32 v26, v7;
	[tilespmem:v14+s18+$0x0] =	vst.idx.msk $0xffff, v13;
	v13 =	vor.u32 v5, v8  }
0x15c: {  	v6 =	vor.u32 v26, v12;
	v5 =	vor.u32 v26, v8;
	[tilespmem:v17+s18+$0x0] =	vst.idx.msk $0xffff, v16  }
0x15d: {  	v8 =	vor.u32 v26, v15;
	[tilespmem:v21+s18+$0x0] =	vst.idx.msk $0xffff, v20  }
0x15e: {  	[tilespmem:v25+s18+$0x0] =	vst.idx.msk $0xffff, v24  }
0x15f: {  	[tilespmem:v28+s18+$0x0] =	vst.idx.msk $0xffff, v27  }
0x160: {  	[tilespmem:v13+s18+$0x0] =	vst.idx.msk $0xffff, v11  }
0x161: {  	[tilespmem:v29+s18+$0x0] =	vst.idx.msk $0xffff, v10  }
0x162: {  	[tilespmem:v30+s18+$0x0] =	vst.idx.msk $0xffff, v9  }
0x163: {  	v13 =	vld [tilespmem:s21+$0xFFFFFFC0]  }
0x164: {  	v14 =	vld [tilespmem:s21+$0xFFFFFFB0]  }
0x165: {  	v15 =	vld [tilespmem:s21+$0xFFFFFFA0]  }
0x166: {  	v16 =	vld [tilespmem:s21+$0xFFFFFF90]  }
0x167: {  	v11 =	vld [tilespmem:s21+$0xFFFFFFD0]  }
0x168: {  	v10 =	vld [tilespmem:s21+$0xFFFFFFE0]  }
0x169: {  	v9 =	vld [tilespmem:s21+$0x0]  }
.Ltmp6:
0x16a: {  	v12 =	vld [tilespmem:s21+$0xFFFFFFF0];
	(pc) =	sbr.rel @p0 .LBB2_14-.Ltmp6, $4  }
0x16b: {  	[tilespmem:v18+s18+$0x0] =	vst.idx.msk $0xffff, v16  }
0x16c: {  	[tilespmem:v19+s18+$0x0] =	vst.idx.msk $0xffff, v15  }
0x16d: {  	[tilespmem:v22+s18+$0x0] =	vst.idx.msk $0xffff, v14  }
0x16e: {  	[tilespmem:v23+s18+$0x0] =	vst.idx.msk $0xffff, v13  }
0x16f: {  	_ =	sdelay $0x3  }
0x170: {  	[tilespmem:v7+s18+$0x0] =	vst.idx.msk $0xffff, v11  }
0x171: {  	[tilespmem:v5+s18+$0x0] =	vst.idx.msk $0xffff, v10  }
0x172: {  	[tilespmem:v6+s18+$0x0] =	vst.idx.msk $0xffff, v12  }
0x173: {  	s21 =	simm.s32 $0x7300;
	[tilespmem:v8+s18+$0x0] =	vst.idx.msk $0xffff, v9  }
0x174: {  	[hbm4b:s7+s5] =	stream.linear.scatter [tilespmem:s21], [sflag:$0x4], $0x80, $0x38;
	[tilespmem:$0x9500] =	vst v63  }
0x175: {  	s29 =	simm.s32 $0x7388;
	s22 =	sadd.s32 $0x10, s7  }
0x176: {  	[hbm4b:s22+s5] =	stream.linear.scatter [tilespmem:s29], [sflag:$0x4], $0x80, $0x38;
	[tilespmem:$0x9500] =	vst v63  }
0x177: {  	s30 =	simm.s32 $0x7410;
	s31 =	sadd.s32 $0x20, s7;
	s23 =	simm.s32 $0x7498  }
0x178: {  	[hbm4b:s31+s5] =	stream.linear.scatter [tilespmem:s30], [sflag:$0x4], $0x80, $0x38;
	[tilespmem:$0x9500] =	vst v63  }
0x179: {  	s24 =	sadd.s32 $0x30, s7;
	s25 =	simm.s32 $0x7520;
	s26 =	sadd.s32 $0x40, s7  }
0x17a: {  	[hbm4b:s24+s5] =	stream.linear.scatter [tilespmem:s23], [sflag:$0x4], $0x80, $0x38;
	[tilespmem:$0x9500] =	vst v63  }
0x17b: {  	s28 =	simm.s32 $0x75A8;
	s21 =	simm.s32 $0x440;
	s29 =	sadd.s32 $0x50, s7  }
0x17c: {  	[hbm4b:s26+s5] =	stream.linear.scatter [tilespmem:s25], [sflag:$0x4], $0x80, $0x38;
	[tilespmem:$0x9500] =	vst v63  }
0x17d: {  	s22 =	sadd.s32 $0x4000, s7;
	s30 =	simm.s32 $0x7630;
	s31 =	sadd.s32 $0x60, s7  }
0x17e: {  	[hbm4b:s29+s5] =	stream.linear.scatter [tilespmem:s28], [sflag:$0x4], $0x80, $0x38;
	[tilespmem:$0x9500] =	vst v63  }
0x17f: {  	s23 =	simm.s32 $0x2200;
	s24 =	simm.s32 $0x76B8;
	s25 =	sadd.s32 $0x70, s7  }
0x180: {  	[hbm4b:s31+s5] =	stream.linear.scatter [tilespmem:s30], [sflag:$0x4], $0x80, $0x38;
	[tilespmem:$0x9500] =	vst v63  }
.LBB2_16:
0x181: {  	[hbm4b:s25+s5] =	stream.linear.scatter [tilespmem:s24], [sflag:$0x4], $0x80, $0x38;
	[tilespmem:$0x9500] =	vst v63  }
0x182: {  	s24 =	smov.u32 s21;
	s21 =	smov.u32 s23  }
0x183: {  	s26 =	sadd.s32 $0x1100, s23;
	s21 =	sshra.s32 s21, $0x2;
	s25 =	sadd.s32 $0x7300, s24  }
0x184: {  	[hbm4b:s22+s5] =	stream.linear.scatter [tilespmem:s25], [sflag:$0x4], $0x80, $0x38;
	[tilespmem:$0x9500] =	vst v63  }
0x185: {  	p0 =	sne.s32 s23, $0x7700;
	s23 =	sadd.s32 $0x7388, s24;
	s25 =	sadd.s32 $0x10, s22  }
0x186: {  	[hbm4b:s25+s5] =	stream.linear.scatter [tilespmem:s23], [sflag:$0x4], $0x80, $0x38;
	[tilespmem:$0x9500] =	vst v63  }
0x187: {  	s23 =	sadd.s32 $0x7410, s24;
	s25 =	sadd.s32 $0x20, s22  }
0x188: {  	[hbm4b:s25+s5] =	stream.linear.scatter [tilespmem:s23], [sflag:$0x4], $0x80, $0x38;
	[tilespmem:$0x9500] =	vst v63  }
0x189: {  	s23 =	sadd.s32 $0x7498, s24;
	s25 =	sadd.s32 $0x30, s22  }
0x18a: {  	[hbm4b:s25+s5] =	stream.linear.scatter [tilespmem:s23], [sflag:$0x4], $0x80, $0x38;
	[tilespmem:$0x9500] =	vst v63  }
0x18b: {  	s23 =	sadd.s32 $0x7520, s24;
	s25 =	sadd.s32 $0x40, s22  }
0x18c: {  	[hbm4b:s25+s5] =	stream.linear.scatter [tilespmem:s23], [sflag:$0x4], $0x80, $0x38;
	[tilespmem:$0x9500] =	vst v63  }
.Ltmp7:
0x18d: {  	s23 =	sadd.s32 $0x75A8, s24;
	s25 =	sadd.s32 $0x50, s22;
	(pc) =	sbr.rel @p0 .LBB2_16-.Ltmp7, $4  }
0x18e: {  	[hbm4b:s25+s5] =	stream.linear.scatter [tilespmem:s23], [sflag:$0x4], $0x80, $0x38;
	[tilespmem:$0x9500] =	vst v63  }
0x18f: {  	s23 =	sadd.s32 $0x7630, s24;
	s25 =	sadd.s32 $0x60, s22;
	s24 =	sadd.s32 $0x76B8, s24  }
0x190: {  	[hbm4b:s25+s5] =	stream.linear.scatter [tilespmem:s23], [sflag:$0x4], $0x80, $0x38;
	[tilespmem:$0x9500] =	vst v63  }
0x191: {  	s25 =	sadd.s32 $0x70, s22;
	s22 =	sadd.s32 $0x4000, s22;
	s23 =	smov.u32 s26  }
0x192: {  	[hbm4b:s25+s5] =	stream.linear.scatter [tilespmem:s24], [sflag:$0x4], $0x80, $0x38;
	[tilespmem:$0x9500] =	vst v63  }
0x193: {  	s23 =	sadd.s32 $0x7300, s21  }
0x194: {  	[hbm4b:s22+s5] =	stream.linear.scatter [tilespmem:s23], [sflag:$0x4], $0x80, $0x38;
	[tilespmem:$0x9500] =	vst v63  }
0x195: {  	s30 =	sadd.s32 $0x7388, s21;
	s31 =	sadd.s32 $0x10, s22  }
0x196: {  	[hbm4b:s31+s5] =	stream.linear.scatter [tilespmem:s30], [sflag:$0x4], $0x80, $0x38;
	[tilespmem:$0x9500] =	vst v63  }
0x197: {  	s25 =	sadd.s32 $0x7410, s21;
	s26 =	sadd.s32 $0x20, s22  }
0x198: {  	[hbm4b:s26+s5] =	stream.linear.scatter [tilespmem:s25], [sflag:$0x4], $0x80, $0x38;
	[tilespmem:$0x9500] =	vst v63  }
0x199: {  	s28 =	sadd.s32 $0x7498, s21;
	s29 =	sadd.s32 $0x30, s22  }
0x19a: {  	[hbm4b:s29+s5] =	stream.linear.scatter [tilespmem:s28], [sflag:$0x4], $0x80, $0x38;
	[tilespmem:$0x9500] =	vst v63  }
0x19b: {  	s30 =	sadd.s32 $0x7520, s21;
	s31 =	sadd.s32 $0x40, s22  }
0x19c: {  	[hbm4b:s31+s5] =	stream.linear.scatter [tilespmem:s30], [sflag:$0x4], $0x80, $0x38;
	[tilespmem:$0x9500] =	vst v63  }
0x19d: {  	s25 =	sadd.s32 $0x75A8, s21;
	s26 =	sadd.s32 $0x50, s22  }
0x19e: {  	[hbm4b:s26+s5] =	stream.linear.scatter [tilespmem:s25], [sflag:$0x4], $0x80, $0x38;
	[tilespmem:$0x9500] =	vst v63  }
0x19f: {  	s28 =	sadd.s32 $0x7630, s21;
	s29 =	sadd.s32 $0x60, s22  }
0x1a0: {  	[hbm4b:s29+s5] =	stream.linear.scatter [tilespmem:s28], [sflag:$0x4], $0x80, $0x38;
	[tilespmem:$0x9500] =	vst v63  }
0x1a1: {  	s20 =	sadd.s32 $0x1, s20;
	s30 =	sadd.s32 $0x76B8, s21;
	s31 =	sadd.s32 $0x70, s22  }
0x1a2: {  	[hbm4b:s31+s5] =	stream.linear.scatter [tilespmem:s30], [sflag:$0x4], $0x80, $0x38;
	[tilespmem:$0x9500] =	vst v63  }
0x1a3: {  	p0 =	sne.s32 s20, s8;
	_ =	swait.ge [sflag:s19], $0x2000  }
.Ltmp8:
0x1a4: {  	[sflag:s19] =	ssyncset.done $0x0;
	(pc) =	sbr.rel @p0 .LBB2_1-.Ltmp8, $4  }
0x1a5: {  	[sflag:s19] =	ssyncadd.s32 $0xFFFFE000  }
0x1a6: {  	_ =	swait.ge [sflag:s17], $0x2000  }
0x1a7: {  	[sflag:s17] =	ssyncset.done $0x0  }
0x1a8: {  	[sflag:s17] =	ssyncadd.s32 $0xFFFFE000  }
0x1a9: {  	_ =	sfence.sel $0x180000  }
0x1aa: {  	[bflag:$0x0] =	sbarrier.arrive $0xFFFF  }
0x1ab: {  	p0 =	sne.s32 s0, $0x0;
	_ =	strace $0x90000047  }
0x1ac: {  	s0 =	sadd.s32 @!p0 $0x100000, s2;
	[bflag:$0x2] =	sbarrier.arrive $0xFFFF  }
0x1ad: {  	[sflag:s0] =	ssyncadd.tile.s32 @!p0 $0x1;
	_ =	shalt  }
.Lfunc_end2:
_tile_overlayer_lowered:
.L_overlay_start_2:
0x1ae: {  	(tag) =	ssettag $0x2  }
0x1af: {  	s0 =	rddreg [dreg:$0x0];
	s2 =	stileid.u32  }
0x1b0: {  	s1 =	rddreg [dreg:$0x1];
	p0 =	sne.s32 s2, $0x0  }
0x1b1: {  	s3 =	rddreg [dreg:$0x2];
	[bflag:$0x3] =	sbarrier.arrive $0xFFFF;
	s2 =	simm.s32 @!p0 $0x1C05  }
0x1b2: {  	[timem:s3], [sflag:s2] =	dma.local @!p0 [hbm:s0], s1  }
0x1b3: {  	s0 =	simm.s32 @!p0 $0x5  }
0x1b4: {  	_ =	swait.ge @!p0 [sflag:s0], s1  }
0x1b5: {  	s1 =	ssub.s32 @!p0 $0x0, s1;
	[sflag:s0] =	ssyncset.done @!p0 $0x0  }
0x1b6: {  	[sflag:s0] =	ssyncadd.s32 @!p0 s1  }
0x1b7: {  	[bflag:$0x3] =	sbarrier.arrive $0xFFFF  }
0x1b8: {  	_ =	shalt  }

</sc_bundles>
